<compile_context>
chip_gen: v7x
topology: tpu7x:2x2x1
jax: 0.10.2.dev20260603
libtpu: 0.0.44.dev20260713+nightly
codegen_flags: <defaults>
</compile_context>

<pallas_src>
import functools

import jax
import jax.numpy as jnp
from jax import lax
from jax.experimental import pallas as pl
from jax.experimental.pallas import tpu as pltpu
from jax.experimental.pallas import tpu_sc as plsc

NC, NS, LANES = 2, 16, 16
NW = NC * NS
CH = 80


def _node_tables_body(z_ref, w1ab_ref, w1v_ref, zv_ref, b1_ref,
                      ab_ref, c_ref):
    ab_ref[...] = jnp.dot(z_ref[...], w1ab_ref[...],
                          preferred_element_type=jnp.float32)
    c_ref[...] = (jnp.dot(zv_ref[...], w1v_ref[...],
                          preferred_element_type=jnp.float32) + b1_ref[...])


def _sc_gather_body(ab_hbm, idxsd_hbm, out_hbm,
                    idx, rows_s, rows_t, rows_o, tab,
                    sem_s0, sem_s1, sem_t0, sem_t1, sem_o, sem_i0, sem_i1,
                    n_chunks):
    cid = lax.axis_index("c")
    sid = lax.axis_index("s")
    wid = sid * NC + cid
    half = CH // 2
    sem_s = (sem_s0, sem_s1)
    sem_t = (sem_t0, sem_t1)
    sem_i = (sem_i0, sem_i1)
    base = wid * n_chunks

    n_nodes = ab_hbm.shape[0]
    rows_per_stager = n_nodes // 10

    @pl.when(sid < 10)
    def _stage():
        pltpu.sync_copy(ab_hbm.at[pl.ds(sid * rows_per_stager,
                                        rows_per_stager)],
                        tab.at[pl.ds(sid * rows_per_stager, rows_per_stager)])
    plsc.subcore_barrier()

    def start_idx(i, b):
        pltpu.async_copy(idxsd_hbm.at[wid, i], idx.at[b], sem_i[b])

    def wait_idx(b):
        pltpu.make_async_copy(idxsd_hbm.at[wid, 0], idx.at[b],
                              sem_i[b]).wait()

    def start_gather(b):
        pltpu.async_copy(tab.at[idx.at[b, 0]], rows_s.at[b], sem_s[b])
        pltpu.async_copy(tab.at[idx.at[b, 1]], rows_t.at[b], sem_t[b])

    def wait_gather(b):
        pltpu.make_async_copy(tab.at[idx.at[b, 0]], rows_s.at[b],
                              sem_s[b]).wait()
        pltpu.make_async_copy(tab.at[idx.at[b, 1]], rows_t.at[b],
                              sem_t[b]).wait()

    def start_write(i):
        pltpu.async_copy(rows_o,
                         out_hbm.at[pl.ds((base + i) * half, half)], sem_o)

    def wait_write():
        pltpu.make_async_copy(rows_o, out_hbm.at[pl.ds(0, half)],
                              sem_o).wait()

    def add_pack(b):
        @pl.loop(0, half)
        def _row(r):
            for c in range(8):
                e = (c // 4) * half + r
                col = (c % 4) * LANES
                rows_o[r, pl.ds(c * LANES, LANES)] = (
                    rows_s[b, e, pl.ds(col, LANES)]
                    + rows_t[b, e, pl.ds(64 + col, LANES)])

    assert n_chunks % 2 == 1 and n_chunks >= 3
    start_idx(0, 0)
    start_idx(1, 1)
    wait_idx(0)
    start_gather(0)
    wait_idx(1)
    start_gather(1)
    wait_gather(0)
    start_idx(2, 0)
    add_pack(0)
    start_write(0)
    wait_idx(0)
    start_gather(0)
    wait_gather(1)
    start_idx(3, 1)
    wait_write()
    add_pack(1)
    start_write(1)

    @pl.loop(1, (n_chunks - 1) // 2)
    def _pair(p):
        i0 = 2 * p
        for b in range(2):
            i = i0 + b
            wait_idx(1 - b)
            start_gather(1 - b)
            wait_gather(b)

            @pl.when(i + 2 < n_chunks)
            def _refill():
                start_idx(i + 2, b)
            wait_write()
            add_pack(b)
            start_write(i)

    i_last = n_chunks - 1
    wait_gather(0)
    wait_write()
    add_pack(0)
    start_write(i_last)
    wait_write()


def _mlp_body(g_ref, c_ref, w2_ref, b2_ref, w3t_ref, b3_ref, o_ref):
    h1 = jnp.maximum(g_ref[...] + c_ref[...], 0.0)
    h2 = jnp.maximum(
        jnp.dot(h1, w2_ref[...], preferred_element_type=jnp.float32)
        + b2_ref[...], 0.0)
    om_t = lax.dot_general(w3t_ref[...], h2, (((1,), (1,)), ((), ())),
                           preferred_element_type=jnp.float32)
    o_ref[...] = jax.nn.sigmoid(om_t + b3_ref[...])


def kernel(Z, edge_index, node_idx, W1, b1, W2, b2, W3, b3):
    N, D = Z.shape
    E = edge_index.shape[1]
    H1 = W1.shape[1]
    H2 = W2.shape[1]

    W1ab = jnp.concatenate([W1[:D], W1[D:2 * D]], axis=1)
    W1v = W1[2 * D:]
    zv = lax.dynamic_slice_in_dim(Z, node_idx, 1, axis=0)

    AB, c = pl.pallas_call(
        _node_tables_body,
        out_shape=(
            jax.ShapeDtypeStruct((N, 2 * H1), jnp.float32),
            jax.ShapeDtypeStruct((1, H1), jnp.float32),
        ),
    )(Z, W1ab, W1v, zv, b1.reshape(1, H1))

    per_w = E // NW
    n_chunks = per_w // CH
    assert per_w % CH == 0
    half = CH // 2
    srci = jnp.concatenate(
        [edge_index[0, :E // 2].reshape(NW, n_chunks, half),
         edge_index[0, E // 2:].reshape(NW, n_chunks, half)], axis=2)
    dsti = jnp.concatenate(
        [edge_index[1, :E // 2].reshape(NW, n_chunks, half),
         edge_index[1, E // 2:].reshape(NW, n_chunks, half)], axis=2)
    idxsd = jnp.stack([srci, dsti], axis=2)

    mesh = plsc.VectorSubcoreMesh(core_axis_name="c", subcore_axis_name="s",
                                  num_cores=NC, num_subcores=NS)
    sc_fn = pl.kernel(
        functools.partial(_sc_gather_body, n_chunks=n_chunks),
        out_type=jax.ShapeDtypeStruct((E // 2, 2 * H1), jnp.float32),
        mesh=mesh,
        scratch_types=[
            pltpu.VMEM((2, 2, CH), jnp.int32),
            pltpu.VMEM((2, CH, 2 * H1), jnp.float32),
            pltpu.VMEM((2, CH, 2 * H1), jnp.float32),
            pltpu.VMEM((CH // 2, 2 * H1), jnp.float32),
            pltpu.VMEM_SHARED((N, 2 * H1), jnp.float32),
            pltpu.SemaphoreType.DMA,
            pltpu.SemaphoreType.DMA,
            pltpu.SemaphoreType.DMA,
            pltpu.SemaphoreType.DMA,
            pltpu.SemaphoreType.DMA,
            pltpu.SemaphoreType.DMA,
            pltpu.SemaphoreType.DMA,
        ],
    )
    G = sc_fn(AB, idxsd)

    cc = jnp.concatenate([c, c], axis=1)
    W2p = jnp.zeros((2 * H1, 2 * H2), jnp.float32)
    W2p = W2p.at[:H1, :H2].set(W2).at[H1:, H2:].set(W2)
    b2p = jnp.concatenate([b2, b2]).reshape(1, 2 * H2)
    W3t = jnp.zeros((2, 2 * H2), jnp.float32)
    W3t = W3t.at[0, :H2].set(W3[:, 0]).at[1, H2:].set(W3[:, 0])
    b3t = jnp.broadcast_to(b3.reshape(1, 1), (2, 1))

    BR = 3200
    out2 = pl.pallas_call(
        _mlp_body,
        grid=(E // 2 // BR,),
        in_specs=[
            pl.BlockSpec((BR, 2 * H1), lambda i: (i, 0)),
            pl.BlockSpec((1, 2 * H1), lambda i: (0, 0)),
            pl.BlockSpec((2 * H1, 2 * H2), lambda i: (0, 0)),
            pl.BlockSpec((1, 2 * H2), lambda i: (0, 0)),
            pl.BlockSpec((2, 2 * H2), lambda i: (0, 0)),
            pl.BlockSpec((2, 1), lambda i: (0, 0)),
        ],
        out_specs=pl.BlockSpec((2, BR), lambda i: (0, i)),
        out_shape=jax.ShapeDtypeStruct((2, E // 2), jnp.float32),
    )(G, cc, W2p, b2p, W3t, b3t)

    return out2.reshape(E)

# --- scband reference (transcript-rebuilt; emitter-appended) ---
"""Pipeline reference for scband-pgexplainer-66571993088771 (READ-ONLY COPY).

The authoritative reference and input builder live on the scoring server;
editing this copy changes nothing except your own understanding.
"""

import jax, jax.numpy as jnp
import numpy as np

N_NODES = 10000
N_EDGES = 320000
D = 128


def setup_inputs(seed: int = 0) -> dict:
    key = jax.random.key(seed)
    k1, k2, k3, k4, k5 = jax.random.split(key, 5)
    Z = jax.random.normal(k1, (N_NODES, D), dtype=jnp.float32)
    edge_index = jax.random.randint(k2, (2, N_EDGES), 0, N_NODES, dtype=jnp.int64 if jax.config.jax_enable_x64 else jnp.int32).astype(jnp.int32)
    node_idx = 0
    # explainer MLP: Linear(3*D, 64) -> ReLU -> Linear(64, 20) -> ReLU -> Linear(20, 1)
    W1 = jax.random.normal(k3, (3 * D, 64), dtype=jnp.float32) * (1.0 / np.sqrt(3 * D))
    b1 = jnp.zeros((64,), dtype=jnp.float32)
    W2 = jax.random.normal(k4, (64, 20), dtype=jnp.float32) * (1.0 / np.sqrt(64))
    b2 = jnp.zeros((20,), dtype=jnp.float32)
    W3 = jax.random.normal(k5, (20, 1), dtype=jnp.float32) * (1.0 / np.sqrt(20))
    b3 = jnp.zeros((1,), dtype=jnp.float32)
    return {"Z": Z, "edge_index": edge_index, "node_idx": node_idx,
            "W1": W1, "b1": b1, "W2": W2, "b2": b2, "W3": W3, "b3": b3}


def reference(Z, edge_index, node_idx, W1, b1, W2, b2, W3, b3):
    # PGExplainer.explain(node_idx): __get_params__ followed by sigmoid.
    E = edge_index.shape[1]
    z_i = jnp.take(Z, edge_index[0, :], axis=0)            # gather src node embeddings
    z_j = jnp.take(Z, edge_index[1, :], axis=0)            # gather dst node embeddings
    z_v = jnp.broadcast_to(Z[node_idx, :][None, :], (E, Z.shape[1]))  # repeat target node embedding
    h = jnp.concatenate([z_i, z_j, z_v], axis=1)           # [E, 3*D]
    h = jax.nn.relu(h @ W1 + b1)
    h = jax.nn.relu(h @ W2 + b2)
    omega = (h @ W3 + b3).reshape(-1)                      # [E]
    return jax.nn.sigmoid(omega)

if __name__ == "__main__":
    import jax
    _d = setup_inputs()
    print(jax.jit(kernel)(*tuple(_d.values())))

</pallas_src>

<mosaic_0001>
#map = affine_map<(d0, d1) -> (0, 0)>
#map1 = affine_map<(d0, d1) -> (0, 0, 0, 0)>
module attributes {stable_mosaic.version = 14 : i64} {
  func.func @_sc_gather_body(%arg0: i32, %arg1: i32, %arg2: memref<10000x128xf32, #tpu.memory_space<hbm>>, %arg3: memref<32x125x2x80xi32, #tpu.memory_space<hbm>>, %arg4: memref<160000x128xf32, #tpu.memory_space<hbm>>, %arg5: memref<2x2x80xi32, #tpu.memory_space<vmem>>, %arg6: memref<2x80x128xf32, #tpu.memory_space<vmem>>, %arg7: memref<2x80x128xf32, #tpu.memory_space<vmem>>, %arg8: memref<40x128xf32, #tpu.memory_space<vmem>>, %arg9: memref<10000x128xf32, #tpu.memory_space<vmem_shared>>, %arg10: memref<!tpu.dma_semaphore, #tpu.memory_space<semaphore_mem>>, %arg11: memref<!tpu.dma_semaphore, #tpu.memory_space<semaphore_mem>>, %arg12: memref<!tpu.dma_semaphore, #tpu.memory_space<semaphore_mem>>, %arg13: memref<!tpu.dma_semaphore, #tpu.memory_space<semaphore_mem>>, %arg14: memref<!tpu.dma_semaphore, #tpu.memory_space<semaphore_mem>>, %arg15: memref<!tpu.dma_semaphore, #tpu.memory_space<semaphore_mem>>, %arg16: memref<!tpu.dma_semaphore, #tpu.memory_space<semaphore_mem>>) attributes {dimension_semantics = [#tpu.dimension_semantics<core_parallel>, #tpu.dimension_semantics<subcore_parallel>], iteration_bounds = array<i64: 2, 16>, scalar_prefetch = 0 : i64, scratch_operands = 12 : i64, tpu.core_type = #tpu.core_type<sc_vector_subcore>, window_params = [{transform_indices = #map}, {transform_indices = #map1}, {transform_indices = #map}]} {
    %mul3A = arith.constant 2 : i32
    %mul3A_0 = arith.muli %arg1, %mul3A : i32
    %add3A = arith.addi %mul3A_0, %arg0 : i32
    %mul3A_1 = arith.constant 125 : i32
    %mul3A_2 = arith.muli %add3A, %mul3A_1 : i32
    %lt3A = arith.constant 10 : i32
    %lt3A_3 = arith.cmpi slt, %arg1, %lt3A : i32
    %convert_element_type3A = arith.extui %lt3A_3 : i1 to i32
    %cond3A = arith.constant 0 : i32
    %cond3A_4 = arith.cmpi ne, %convert_element_type3A, %cond3A : i32
    scf.if %cond3A_4 {
      %mul3A_346 = arith.constant 1000 : i32
      %mul3A_347 = arith.muli %arg1, %mul3A_346 : i32
      %mul3A_348 = arith.constant 1000 : i32
      %mul3A_349 = arith.muli %arg1, %mul3A_348 : i32
      "tpu.region"() ({
        %run_scoped3A = tpu.sem_alloc : memref<!tpu.dma_semaphore, #tpu.memory_space<semaphore_mem>>
        %dma_start3A_350 = arith.constant 0 : i32
        %dma_start3A_351 = tpu.memref_slice %arg9[%mul3A_349, %dma_start3A_350] : memref<10000x128xf32, #tpu.memory_space<vmem_shared>> -> memref<1000x128xf32, #tpu.memory_space<vmem_shared>>
        %dma_start3A_352 = arith.constant 0 : i32
        %dma_start3A_353 = tpu.memref_slice %arg2[%mul3A_347, %dma_start3A_352] : memref<10000x128xf32, #tpu.memory_space<hbm>> -> memref<1000x128xf32, #tpu.memory_space<hbm>>
        tpu.enqueue_dma source(%dma_start3A_353 : memref<1000x128xf32, #tpu.memory_space<hbm>>) target(%dma_start3A_351 : memref<1000x128xf32, #tpu.memory_space<vmem_shared>>) target_semaphore(%run_scoped3A : memref<!tpu.dma_semaphore, #tpu.memory_space<semaphore_mem>>)
        %dma_wait3A_354 = arith.constant 0 : i32
        %dma_wait3A_355 = tpu.memref_slice %arg9[%mul3A_349, %dma_wait3A_354] : memref<10000x128xf32, #tpu.memory_space<vmem_shared>> -> memref<1000x128xf32, #tpu.memory_space<vmem_shared>>
        %dma_wait3A_356 = arith.constant 0 : i32
        %dma_wait3A_357 = tpu.memref_slice %arg2[%mul3A_347, %dma_wait3A_356] : memref<10000x128xf32, #tpu.memory_space<hbm>> -> memref<1000x128xf32, #tpu.memory_space<hbm>>
        tpu.wait_dma2 semaphore(%run_scoped3A : memref<!tpu.dma_semaphore, #tpu.memory_space<semaphore_mem>>) src(%dma_wait3A_357 : memref<1000x128xf32, #tpu.memory_space<hbm>>) dst(%dma_wait3A_355 : memref<1000x128xf32, #tpu.memory_space<vmem_shared>>)
        tpu.yield
      }) : () -> ()
    } else {
    }
    %barrier3A = arith.constant 0 : index
    tpu.barrier barrier_id(%barrier3A)
    %dma_start3A = arith.constant 0 : i32
    %dma_start3A_5 = arith.constant 0 : i32
    %dma_start3A_6 = arith.constant 0 : i32
    %dma_start3A_7 = arith.constant 0 : i32
    %dma_start3A_8 = tpu.memref_slice %arg5[%dma_start3A_5, %dma_start3A_6, %dma_start3A_7] : memref<2x2x80xi32, #tpu.memory_space<vmem>> -> memref<1x2x80xi32, #tpu.memory_space<vmem>>
    %dma_start3A_9 = tpu.memref_squeeze %dma_start3A_8 : memref<1x2x80xi32, #tpu.memory_space<vmem>> -> memref<2x80xi32, #tpu.memory_space<vmem>>
    %dma_start3A_10 = arith.constant 0 : i32
    %dma_start3A_11 = arith.constant 0 : i32
    %dma_start3A_12 = tpu.memref_slice %arg3[%add3A, %dma_start3A, %dma_start3A_10, %dma_start3A_11] : memref<32x125x2x80xi32, #tpu.memory_space<hbm>> -> memref<1x1x2x80xi32, #tpu.memory_space<hbm>>
    %dma_start3A_13 = tpu.memref_squeeze %dma_start3A_12 : memref<1x1x2x80xi32, #tpu.memory_space<hbm>> -> memref<2x80xi32, #tpu.memory_space<hbm>>
    %dma_start3A_14 = arith.constant 0 : i32
    %dma_start3A_15 = arith.constant 0 : i32
    %dma_start3A_16 = tpu.memref_slice %arg5[%dma_start3A_5, %dma_start3A_14, %dma_start3A_15] : memref<2x2x80xi32, #tpu.memory_space<vmem>> -> memref<1x2x80xi32, #tpu.memory_space<vmem>>
    %dma_start3A_17 = tpu.memref_squeeze %dma_start3A_16 : memref<1x2x80xi32, #tpu.memory_space<vmem>> -> memref<2x80xi32, #tpu.memory_space<vmem>>
    %dma_start3A_18 = arith.constant 0 : i32
    %dma_start3A_19 = arith.constant 0 : i32
    %dma_start3A_20 = tpu.memref_slice %arg3[%add3A, %dma_start3A, %dma_start3A_18, %dma_start3A_19] : memref<32x125x2x80xi32, #tpu.memory_space<hbm>> -> memref<1x1x2x80xi32, #tpu.memory_space<hbm>>
    %dma_start3A_21 = tpu.memref_squeeze %dma_start3A_20 : memref<1x1x2x80xi32, #tpu.memory_space<hbm>> -> memref<2x80xi32, #tpu.memory_space<hbm>>
    tpu.enqueue_dma source(%dma_start3A_21 : memref<2x80xi32, #tpu.memory_space<hbm>>) target(%dma_start3A_17 : memref<2x80xi32, #tpu.memory_space<vmem>>) target_semaphore(%arg15 : memref<!tpu.dma_semaphore, #tpu.memory_space<semaphore_mem>>)
    %dma_start3A_22 = arith.constant 1 : i32
    %dma_start3A_23 = arith.constant 1 : i32
    %dma_start3A_24 = arith.constant 0 : i32
    %dma_start3A_25 = arith.constant 0 : i32
    %dma_start3A_26 = tpu.memref_slice %arg5[%dma_start3A_23, %dma_start3A_24, %dma_start3A_25] : memref<2x2x80xi32, #tpu.memory_space<vmem>> -> memref<1x2x80xi32, #tpu.memory_space<vmem>>
    %dma_start3A_27 = tpu.memref_squeeze %dma_start3A_26 : memref<1x2x80xi32, #tpu.memory_space<vmem>> -> memref<2x80xi32, #tpu.memory_space<vmem>>
    %dma_start3A_28 = arith.constant 0 : i32
    %dma_start3A_29 = arith.constant 0 : i32
    %dma_start3A_30 = tpu.memref_slice %arg3[%add3A, %dma_start3A_22, %dma_start3A_28, %dma_start3A_29] : memref<32x125x2x80xi32, #tpu.memory_space<hbm>> -> memref<1x1x2x80xi32, #tpu.memory_space<hbm>>
    %dma_start3A_31 = tpu.memref_squeeze %dma_start3A_30 : memref<1x1x2x80xi32, #tpu.memory_space<hbm>> -> memref<2x80xi32, #tpu.memory_space<hbm>>
    %dma_start3A_32 = arith.constant 0 : i32
    %dma_start3A_33 = arith.constant 0 : i32
    %dma_start3A_34 = tpu.memref_slice %arg5[%dma_start3A_23, %dma_start3A_32, %dma_start3A_33] : memref<2x2x80xi32, #tpu.memory_space<vmem>> -> memref<1x2x80xi32, #tpu.memory_space<vmem>>
    %dma_start3A_35 = tpu.memref_squeeze %dma_start3A_34 : memref<1x2x80xi32, #tpu.memory_space<vmem>> -> memref<2x80xi32, #tpu.memory_space<vmem>>
    %dma_start3A_36 = arith.constant 0 : i32
    %dma_start3A_37 = arith.constant 0 : i32
    %dma_start3A_38 = tpu.memref_slice %arg3[%add3A, %dma_start3A_22, %dma_start3A_36, %dma_start3A_37] : memref<32x125x2x80xi32, #tpu.memory_space<hbm>> -> memref<1x1x2x80xi32, #tpu.memory_space<hbm>>
    %dma_start3A_39 = tpu.memref_squeeze %dma_start3A_38 : memref<1x1x2x80xi32, #tpu.memory_space<hbm>> -> memref<2x80xi32, #tpu.memory_space<hbm>>
    tpu.enqueue_dma source(%dma_start3A_39 : memref<2x80xi32, #tpu.memory_space<hbm>>) target(%dma_start3A_35 : memref<2x80xi32, #tpu.memory_space<vmem>>) target_semaphore(%arg16 : memref<!tpu.dma_semaphore, #tpu.memory_space<semaphore_mem>>)
    %dma_wait3A = arith.constant 0 : i32
    %dma_wait3A_40 = arith.constant 0 : i32
    %dma_wait3A_41 = arith.constant 0 : i32
    %dma_wait3A_42 = arith.constant 0 : i32
    %dma_wait3A_43 = tpu.memref_slice %arg5[%dma_wait3A_40, %dma_wait3A_41, %dma_wait3A_42] : memref<2x2x80xi32, #tpu.memory_space<vmem>> -> memref<1x2x80xi32, #tpu.memory_space<vmem>>
    %dma_wait3A_44 = tpu.memref_squeeze %dma_wait3A_43 : memref<1x2x80xi32, #tpu.memory_space<vmem>> -> memref<2x80xi32, #tpu.memory_space<vmem>>
    %dma_wait3A_45 = arith.constant 0 : i32
    %dma_wait3A_46 = arith.constant 0 : i32
    %dma_wait3A_47 = tpu.memref_slice %arg3[%add3A, %dma_wait3A, %dma_wait3A_45, %dma_wait3A_46] : memref<32x125x2x80xi32, #tpu.memory_space<hbm>> -> memref<1x1x2x80xi32, #tpu.memory_space<hbm>>
    %dma_wait3A_48 = tpu.memref_squeeze %dma_wait3A_47 : memref<1x1x2x80xi32, #tpu.memory_space<hbm>> -> memref<2x80xi32, #tpu.memory_space<hbm>>
    %dma_wait3A_49 = arith.constant 0 : i32
    %dma_wait3A_50 = arith.constant 0 : i32
    %dma_wait3A_51 = tpu.memref_slice %arg5[%dma_wait3A_40, %dma_wait3A_49, %dma_wait3A_50] : memref<2x2x80xi32, #tpu.memory_space<vmem>> -> memref<1x2x80xi32, #tpu.memory_space<vmem>>
    %dma_wait3A_52 = tpu.memref_squeeze %dma_wait3A_51 : memref<1x2x80xi32, #tpu.memory_space<vmem>> -> memref<2x80xi32, #tpu.memory_space<vmem>>
    %dma_wait3A_53 = arith.constant 0 : i32
    %dma_wait3A_54 = arith.constant 0 : i32
    %dma_wait3A_55 = tpu.memref_slice %arg3[%add3A, %dma_wait3A, %dma_wait3A_53, %dma_wait3A_54] : memref<32x125x2x80xi32, #tpu.memory_space<hbm>> -> memref<1x1x2x80xi32, #tpu.memory_space<hbm>>
    %dma_wait3A_56 = tpu.memref_squeeze %dma_wait3A_55 : memref<1x1x2x80xi32, #tpu.memory_space<hbm>> -> memref<2x80xi32, #tpu.memory_space<hbm>>
    tpu.wait_dma2 semaphore(%arg15 : memref<!tpu.dma_semaphore, #tpu.memory_space<semaphore_mem>>) src(%dma_wait3A_56 : memref<2x80xi32, #tpu.memory_space<hbm>>) dst(%dma_wait3A_52 : memref<2x80xi32, #tpu.memory_space<vmem>>)
    %dma_start3A_57 = arith.constant 0 : i32
    %dma_start3A_58 = arith.constant 0 : i32
    %dma_start3A_59 = arith.constant 0 : i32
    %dma_start3A_60 = arith.constant 0 : i32
    %dma_start3A_61 = arith.constant 0 : i32
    %dma_start3A_62 = tpu.memref_slice %arg6[%dma_start3A_59, %dma_start3A_60, %dma_start3A_61] : memref<2x80x128xf32, #tpu.memory_space<vmem>> -> memref<1x80x128xf32, #tpu.memory_space<vmem>>
    %dma_start3A_63 = tpu.memref_squeeze %dma_start3A_62 : memref<1x80x128xf32, #tpu.memory_space<vmem>> -> memref<80x128xf32, #tpu.memory_space<vmem>>
    %dma_start3A_64 = arith.constant 0 : i32
    %dma_start3A_65 = tpu.memref_slice %arg5[%dma_start3A_57, %dma_start3A_58, %dma_start3A_64] : memref<2x2x80xi32, #tpu.memory_space<vmem>> -> memref<1x1x80xi32, #tpu.memory_space<vmem>>
    %dma_start3A_66 = tpu.memref_squeeze %dma_start3A_65 : memref<1x1x80xi32, #tpu.memory_space<vmem>> -> memref<80xi32, #tpu.memory_space<vmem>>
    %dma_start3A_67 = arith.constant 0 : i32
    %dma_start3A_68 = arith.constant 0 : i32
    %dma_start3A_69 = tpu.memref_slice %arg9[%dma_start3A_67, %dma_start3A_68] : memref<10000x128xf32, #tpu.memory_space<vmem_shared>> -> memref<10000x128xf32, #tpu.memory_space<vmem_shared>>
    tpu.enqueue_indirect_dma source(%dma_start3A_69 : memref<10000x128xf32, #tpu.memory_space<vmem_shared>>) target(%dma_start3A_63 : memref<80x128xf32, #tpu.memory_space<vmem>>) offsets(%dma_start3A_66 : memref<80xi32, #tpu.memory_space<vmem>>) semaphore(%arg10 : memref<!tpu.dma_semaphore, #tpu.memory_space<semaphore_mem>>)
    %dma_start3A_70 = arith.constant 0 : i32
    %dma_start3A_71 = arith.constant 1 : i32
    %dma_start3A_72 = arith.constant 0 : i32
    %dma_start3A_73 = arith.constant 0 : i32
    %dma_start3A_74 = arith.constant 0 : i32
    %dma_start3A_75 = tpu.memref_slice %arg7[%dma_start3A_72, %dma_start3A_73, %dma_start3A_74] : memref<2x80x128xf32, #tpu.memory_space<vmem>> -> memref<1x80x128xf32, #tpu.memory_space<vmem>>
    %dma_start3A_76 = tpu.memref_squeeze %dma_start3A_75 : memref<1x80x128xf32, #tpu.memory_space<vmem>> -> memref<80x128xf32, #tpu.memory_space<vmem>>
    %dma_start3A_77 = arith.constant 0 : i32
    %dma_start3A_78 = tpu.memref_slice %arg5[%dma_start3A_70, %dma_start3A_71, %dma_start3A_77] : memref<2x2x80xi32, #tpu.memory_space<vmem>> -> memref<1x1x80xi32, #tpu.memory_space<vmem>>
    %dma_start3A_79 = tpu.memref_squeeze %dma_start3A_78 : memref<1x1x80xi32, #tpu.memory_space<vmem>> -> memref<80xi32, #tpu.memory_space<vmem>>
    %dma_start3A_80 = arith.constant 0 : i32
    %dma_start3A_81 = arith.constant 0 : i32
    %dma_start3A_82 = tpu.memref_slice %arg9[%dma_start3A_80, %dma_start3A_81] : memref<10000x128xf32, #tpu.memory_space<vmem_shared>> -> memref<10000x128xf32, #tpu.memory_space<vmem_shared>>
    tpu.enqueue_indirect_dma source(%dma_start3A_82 : memref<10000x128xf32, #tpu.memory_space<vmem_shared>>) target(%dma_start3A_76 : memref<80x128xf32, #tpu.memory_space<vmem>>) offsets(%dma_start3A_79 : memref<80xi32, #tpu.memory_space<vmem>>) semaphore(%arg12 : memref<!tpu.dma_semaphore, #tpu.memory_space<semaphore_mem>>)
    %dma_wait3A_83 = arith.constant 0 : i32
    %dma_wait3A_84 = arith.constant 1 : i32
    %dma_wait3A_85 = arith.constant 0 : i32
    %dma_wait3A_86 = arith.constant 0 : i32
    %dma_wait3A_87 = tpu.memref_slice %arg5[%dma_wait3A_84, %dma_wait3A_85, %dma_wait3A_86] : memref<2x2x80xi32, #tpu.memory_space<vmem>> -> memref<1x2x80xi32, #tpu.memory_space<vmem>>
    %dma_wait3A_88 = tpu.memref_squeeze %dma_wait3A_87 : memref<1x2x80xi32, #tpu.memory_space<vmem>> -> memref<2x80xi32, #tpu.memory_space<vmem>>
    %dma_wait3A_89 = arith.constant 0 : i32
    %dma_wait3A_90 = arith.constant 0 : i32
    %dma_wait3A_91 = tpu.memref_slice %arg3[%add3A, %dma_wait3A_83, %dma_wait3A_89, %dma_wait3A_90] : memref<32x125x2x80xi32, #tpu.memory_space<hbm>> -> memref<1x1x2x80xi32, #tpu.memory_space<hbm>>
    %dma_wait3A_92 = tpu.memref_squeeze %dma_wait3A_91 : memref<1x1x2x80xi32, #tpu.memory_space<hbm>> -> memref<2x80xi32, #tpu.memory_space<hbm>>
    %dma_wait3A_93 = arith.constant 0 : i32
    %dma_wait3A_94 = arith.constant 0 : i32
    %dma_wait3A_95 = tpu.memref_slice %arg5[%dma_wait3A_84, %dma_wait3A_93, %dma_wait3A_94] : memref<2x2x80xi32, #tpu.memory_space<vmem>> -> memref<1x2x80xi32, #tpu.memory_space<vmem>>
    %dma_wait3A_96 = tpu.memref_squeeze %dma_wait3A_95 : memref<1x2x80xi32, #tpu.memory_space<vmem>> -> memref<2x80xi32, #tpu.memory_space<vmem>>
    %dma_wait3A_97 = arith.constant 0 : i32
    %dma_wait3A_98 = arith.constant 0 : i32
    %dma_wait3A_99 = tpu.memref_slice %arg3[%add3A, %dma_wait3A_83, %dma_wait3A_97, %dma_wait3A_98] : memref<32x125x2x80xi32, #tpu.memory_space<hbm>> -> memref<1x1x2x80xi32, #tpu.memory_space<hbm>>
    %dma_wait3A_100 = tpu.memref_squeeze %dma_wait3A_99 : memref<1x1x2x80xi32, #tpu.memory_space<hbm>> -> memref<2x80xi32, #tpu.memory_space<hbm>>
    tpu.wait_dma2 semaphore(%arg16 : memref<!tpu.dma_semaphore, #tpu.memory_space<semaphore_mem>>) src(%dma_wait3A_100 : memref<2x80xi32, #tpu.memory_space<hbm>>) dst(%dma_wait3A_96 : memref<2x80xi32, #tpu.memory_space<vmem>>)
    %dma_start3A_101 = arith.constant 1 : i32
    %dma_start3A_102 = arith.constant 0 : i32
    %dma_start3A_103 = arith.constant 1 : i32
    %dma_start3A_104 = arith.constant 0 : i32
    %dma_start3A_105 = arith.constant 0 : i32
    %dma_start3A_106 = tpu.memref_slice %arg6[%dma_start3A_103, %dma_start3A_104, %dma_start3A_105] : memref<2x80x128xf32, #tpu.memory_space<vmem>> -> memref<1x80x128xf32, #tpu.memory_space<vmem>>
    %dma_start3A_107 = tpu.memref_squeeze %dma_start3A_106 : memref<1x80x128xf32, #tpu.memory_space<vmem>> -> memref<80x128xf32, #tpu.memory_space<vmem>>
    %dma_start3A_108 = arith.constant 0 : i32
    %dma_start3A_109 = tpu.memref_slice %arg5[%dma_start3A_101, %dma_start3A_102, %dma_start3A_108] : memref<2x2x80xi32, #tpu.memory_space<vmem>> -> memref<1x1x80xi32, #tpu.memory_space<vmem>>
    %dma_start3A_110 = tpu.memref_squeeze %dma_start3A_109 : memref<1x1x80xi32, #tpu.memory_space<vmem>> -> memref<80xi32, #tpu.memory_space<vmem>>
    %dma_start3A_111 = arith.constant 0 : i32
    %dma_start3A_112 = arith.constant 0 : i32
    %dma_start3A_113 = tpu.memref_slice %arg9[%dma_start3A_111, %dma_start3A_112] : memref<10000x128xf32, #tpu.memory_space<vmem_shared>> -> memref<10000x128xf32, #tpu.memory_space<vmem_shared>>
    tpu.enqueue_indirect_dma source(%dma_start3A_113 : memref<10000x128xf32, #tpu.memory_space<vmem_shared>>) target(%dma_start3A_107 : memref<80x128xf32, #tpu.memory_space<vmem>>) offsets(%dma_start3A_110 : memref<80xi32, #tpu.memory_space<vmem>>) semaphore(%arg11 : memref<!tpu.dma_semaphore, #tpu.memory_space<semaphore_mem>>)
    %dma_start3A_114 = arith.constant 1 : i32
    %dma_start3A_115 = arith.constant 1 : i32
    %dma_start3A_116 = arith.constant 1 : i32
    %dma_start3A_117 = arith.constant 0 : i32
    %dma_start3A_118 = arith.constant 0 : i32
    %dma_start3A_119 = tpu.memref_slice %arg7[%dma_start3A_116, %dma_start3A_117, %dma_start3A_118] : memref<2x80x128xf32, #tpu.memory_space<vmem>> -> memref<1x80x128xf32, #tpu.memory_space<vmem>>
    %dma_start3A_120 = tpu.memref_squeeze %dma_start3A_119 : memref<1x80x128xf32, #tpu.memory_space<vmem>> -> memref<80x128xf32, #tpu.memory_space<vmem>>
    %dma_start3A_121 = arith.constant 0 : i32
    %dma_start3A_122 = tpu.memref_slice %arg5[%dma_start3A_114, %dma_start3A_115, %dma_start3A_121] : memref<2x2x80xi32, #tpu.memory_space<vmem>> -> memref<1x1x80xi32, #tpu.memory_space<vmem>>
    %dma_start3A_123 = tpu.memref_squeeze %dma_start3A_122 : memref<1x1x80xi32, #tpu.memory_space<vmem>> -> memref<80xi32, #tpu.memory_space<vmem>>
    %dma_start3A_124 = arith.constant 0 : i32
    %dma_start3A_125 = arith.constant 0 : i32
    %dma_start3A_126 = tpu.memref_slice %arg9[%dma_start3A_124, %dma_start3A_125] : memref<10000x128xf32, #tpu.memory_space<vmem_shared>> -> memref<10000x128xf32, #tpu.memory_space<vmem_shared>>
    tpu.enqueue_indirect_dma source(%dma_start3A_126 : memref<10000x128xf32, #tpu.memory_space<vmem_shared>>) target(%dma_start3A_120 : memref<80x128xf32, #tpu.memory_space<vmem>>) offsets(%dma_start3A_123 : memref<80xi32, #tpu.memory_space<vmem>>) semaphore(%arg13 : memref<!tpu.dma_semaphore, #tpu.memory_space<semaphore_mem>>)
    %dma_wait3A_127 = arith.constant 0 : i32
    %dma_wait3A_128 = arith.constant 0 : i32
    %dma_wait3A_129 = arith.constant 0 : i32
    %dma_wait3A_130 = arith.constant 0 : i32
    %dma_wait3A_131 = arith.constant 0 : i32
    %dma_wait3A_132 = tpu.memref_slice %arg6[%dma_wait3A_129, %dma_wait3A_130, %dma_wait3A_131] : memref<2x80x128xf32, #tpu.memory_space<vmem>> -> memref<1x80x128xf32, #tpu.memory_space<vmem>>
    %dma_wait3A_133 = tpu.memref_squeeze %dma_wait3A_132 : memref<1x80x128xf32, #tpu.memory_space<vmem>> -> memref<80x128xf32, #tpu.memory_space<vmem>>
    %dma_wait3A_134 = arith.constant 0 : i32
    %dma_wait3A_135 = tpu.memref_slice %arg5[%dma_wait3A_127, %dma_wait3A_128, %dma_wait3A_134] : memref<2x2x80xi32, #tpu.memory_space<vmem>> -> memref<1x1x80xi32, #tpu.memory_space<vmem>>
    %dma_wait3A_136 = tpu.memref_squeeze %dma_wait3A_135 : memref<1x1x80xi32, #tpu.memory_space<vmem>> -> memref<80xi32, #tpu.memory_space<vmem>>
    %dma_wait3A_137 = arith.constant 0 : i32
    %dma_wait3A_138 = arith.constant 0 : i32
    %dma_wait3A_139 = tpu.memref_slice %arg9[%dma_wait3A_137, %dma_wait3A_138] : memref<10000x128xf32, #tpu.memory_space<vmem_shared>> -> memref<10000x128xf32, #tpu.memory_space<vmem_shared>>
    tpu.wait_indirect_dma semaphore(%arg10 : memref<!tpu.dma_semaphore, #tpu.memory_space<semaphore_mem>>) src(%dma_wait3A_139 : memref<10000x128xf32, #tpu.memory_space<vmem_shared>>) dst(%dma_wait3A_133 : memref<80x128xf32, #tpu.memory_space<vmem>>)
    %dma_wait3A_140 = arith.constant 0 : i32
    %dma_wait3A_141 = arith.constant 1 : i32
    %dma_wait3A_142 = arith.constant 0 : i32
    %dma_wait3A_143 = arith.constant 0 : i32
    %dma_wait3A_144 = arith.constant 0 : i32
    %dma_wait3A_145 = tpu.memref_slice %arg7[%dma_wait3A_142, %dma_wait3A_143, %dma_wait3A_144] : memref<2x80x128xf32, #tpu.memory_space<vmem>> -> memref<1x80x128xf32, #tpu.memory_space<vmem>>
    %dma_wait3A_146 = tpu.memref_squeeze %dma_wait3A_145 : memref<1x80x128xf32, #tpu.memory_space<vmem>> -> memref<80x128xf32, #tpu.memory_space<vmem>>
    %dma_wait3A_147 = arith.constant 0 : i32
    %dma_wait3A_148 = tpu.memref_slice %arg5[%dma_wait3A_140, %dma_wait3A_141, %dma_wait3A_147] : memref<2x2x80xi32, #tpu.memory_space<vmem>> -> memref<1x1x80xi32, #tpu.memory_space<vmem>>
    %dma_wait3A_149 = tpu.memref_squeeze %dma_wait3A_148 : memref<1x1x80xi32, #tpu.memory_space<vmem>> -> memref<80xi32, #tpu.memory_space<vmem>>
    %dma_wait3A_150 = arith.constant 0 : i32
    %dma_wait3A_151 = arith.constant 0 : i32
    %dma_wait3A_152 = tpu.memref_slice %arg9[%dma_wait3A_150, %dma_wait3A_151] : memref<10000x128xf32, #tpu.memory_space<vmem_shared>> -> memref<10000x128xf32, #tpu.memory_space<vmem_shared>>
    tpu.wait_indirect_dma semaphore(%arg12 : memref<!tpu.dma_semaphore, #tpu.memory_space<semaphore_mem>>) src(%dma_wait3A_152 : memref<10000x128xf32, #tpu.memory_space<vmem_shared>>) dst(%dma_wait3A_146 : memref<80x128xf32, #tpu.memory_space<vmem>>)
    %dma_start3A_153 = arith.constant 2 : i32
    %dma_start3A_154 = arith.constant 0 : i32
    %dma_start3A_155 = arith.constant 0 : i32
    %dma_start3A_156 = arith.constant 0 : i32
    %dma_start3A_157 = tpu.memref_slice %arg5[%dma_start3A_154, %dma_start3A_155, %dma_start3A_156] : memref<2x2x80xi32, #tpu.memory_space<vmem>> -> memref<1x2x80xi32, #tpu.memory_space<vmem>>
    %dma_start3A_158 = tpu.memref_squeeze %dma_start3A_157 : memref<1x2x80xi32, #tpu.memory_space<vmem>> -> memref<2x80xi32, #tpu.memory_space<vmem>>
    %dma_start3A_159 = arith.constant 0 : i32
    %dma_start3A_160 = arith.constant 0 : i32
    %dma_start3A_161 = tpu.memref_slice %arg3[%add3A, %dma_start3A_153, %dma_start3A_159, %dma_start3A_160] : memref<32x125x2x80xi32, #tpu.memory_space<hbm>> -> memref<1x1x2x80xi32, #tpu.memory_space<hbm>>
    %dma_start3A_162 = tpu.memref_squeeze %dma_start3A_161 : memref<1x1x2x80xi32, #tpu.memory_space<hbm>> -> memref<2x80xi32, #tpu.memory_space<hbm>>
    %dma_start3A_163 = arith.constant 0 : i32
    %dma_start3A_164 = arith.constant 0 : i32
    %dma_start3A_165 = tpu.memref_slice %arg5[%dma_start3A_154, %dma_start3A_163, %dma_start3A_164] : memref<2x2x80xi32, #tpu.memory_space<vmem>> -> memref<1x2x80xi32, #tpu.memory_space<vmem>>
    %dma_start3A_166 = tpu.memref_squeeze %dma_start3A_165 : memref<1x2x80xi32, #tpu.memory_space<vmem>> -> memref<2x80xi32, #tpu.memory_space<vmem>>
    %dma_start3A_167 = arith.constant 0 : i32
    %dma_start3A_168 = arith.constant 0 : i32
    %dma_start3A_169 = tpu.memref_slice %arg3[%add3A, %dma_start3A_153, %dma_start3A_167, %dma_start3A_168] : memref<32x125x2x80xi32, #tpu.memory_space<hbm>> -> memref<1x1x2x80xi32, #tpu.memory_space<hbm>>
    %dma_start3A_170 = tpu.memref_squeeze %dma_start3A_169 : memref<1x1x2x80xi32, #tpu.memory_space<hbm>> -> memref<2x80xi32, #tpu.memory_space<hbm>>
    tpu.enqueue_dma source(%dma_start3A_170 : memref<2x80xi32, #tpu.memory_space<hbm>>) target(%dma_start3A_166 : memref<2x80xi32, #tpu.memory_space<vmem>>) target_semaphore(%arg15 : memref<!tpu.dma_semaphore, #tpu.memory_space<semaphore_mem>>)
    %scan3A = arith.constant 0 : i32
    %scan3A_171 = arith.constant 40 : i32
    %scan3A_172 = arith.addi %scan3A, %scan3A_171 : i32
    %scan3A_173 = arith.constant 1 : i32
    scf.for %scan3A_346 = %scan3A to %scan3A_172 step %scan3A_173  : i32 {
      %mul3A_347 = arith.constant 1 : i32
      %mul3A_348 = arith.muli %scan3A_346, %mul3A_347 : i32
      %add3A_349 = arith.constant 0 : i32
      %add3A_350 = arith.addi %add3A_349, %mul3A_348 : i32
      %add3A_351 = arith.constant 0 : i32
      %add3A_352 = arith.addi %add3A_351, %add3A_350 : i32
      %get3A = arith.constant 0 : i32
      %get3A_353 = arith.index_cast %get3A : i32 to index
      %get3A_354 = arith.index_cast %add3A_352 : i32 to index
      %get3A_355 = arith.constant 0 : index
      %get3A_356 = tpu.vector_load %arg6[%get3A_353, %get3A_354, %get3A_355] {strides = array<i32>} : memref<2x80x128xf32, #tpu.memory_space<vmem>>, vector<1x1x16xf32>,
      %get3A_357 = vector.shape_cast %get3A_356 : vector<1x1x16xf32> to vector<16xf32>
      %get3A_358 = arith.constant 0 : i32
      %get3A_359 = arith.index_cast %get3A_358 : i32 to index
      %get3A_360 = arith.index_cast %add3A_352 : i32 to index
      %get3A_361 = arith.constant 64 : index
      %get3A_362 = tpu.vector_load %arg7[%get3A_359, %get3A_360, %get3A_361] {strides = array<i32>} : memref<2x80x128xf32, #tpu.memory_space<vmem>>, vector<1x1x16xf32>,
      %get3A_363 = vector.shape_cast %get3A_362 : vector<1x1x16xf32> to vector<16xf32>
      %add3A_364 = arith.addf %get3A_357, %get3A_363 : vector<16xf32>
      %swap3A = arith.index_cast %add3A_350 : i32 to index
      %swap3A_365 = arith.constant 0 : index
      %swap3A_366 = tpu.vector_load %arg8[%swap3A, %swap3A_365] {strides = array<i32>} : memref<40x128xf32, #tpu.memory_space<vmem>>, vector<1x16xf32>,
      %swap3A_367 = vector.shape_cast %swap3A_366 : vector<1x16xf32> to vector<16xf32>
      %swap3A_368 = vector.shape_cast %add3A_364 : vector<16xf32> to vector<1x16xf32>
      tpu.vector_store %arg8[%swap3A, %swap3A_365], %swap3A_368 {strides = array<i32>} : memref<40x128xf32, #tpu.memory_space<vmem>>, vector<1x16xf32>,
      %add3A_369 = arith.constant 0 : i32
      %add3A_370 = arith.addi %add3A_369, %add3A_350 : i32
      %get3A_371 = arith.constant 0 : i32
      %get3A_372 = arith.index_cast %get3A_371 : i32 to index
      %get3A_373 = arith.index_cast %add3A_370 : i32 to index
      %get3A_374 = arith.constant 16 : index
      %get3A_375 = tpu.vector_load %arg6[%get3A_372, %get3A_373, %get3A_374] {strides = array<i32>} : memref<2x80x128xf32, #tpu.memory_space<vmem>>, vector<1x1x16xf32>,
      %get3A_376 = vector.shape_cast %get3A_375 : vector<1x1x16xf32> to vector<16xf32>
      %get3A_377 = arith.constant 0 : i32
      %get3A_378 = arith.index_cast %get3A_377 : i32 to index
      %get3A_379 = arith.index_cast %add3A_370 : i32 to index
      %get3A_380 = arith.constant 80 : index
      %get3A_381 = tpu.vector_load %arg7[%get3A_378, %get3A_379, %get3A_380] {strides = array<i32>} : memref<2x80x128xf32, #tpu.memory_space<vmem>>, vector<1x1x16xf32>,
      %get3A_382 = vector.shape_cast %get3A_381 : vector<1x1x16xf32> to vector<16xf32>
      %add3A_383 = arith.addf %get3A_376, %get3A_382 : vector<16xf32>
      %swap3A_384 = arith.index_cast %add3A_350 : i32 to index
      %swap3A_385 = arith.constant 16 : index
      %swap3A_386 = tpu.vector_load %arg8[%swap3A_384, %swap3A_385] {strides = array<i32>} : memref<40x128xf32, #tpu.memory_space<vmem>>, vector<1x16xf32>,
      %swap3A_387 = vector.shape_cast %swap3A_386 : vector<1x16xf32> to vector<16xf32>
      %swap3A_388 = vector.shape_cast %add3A_383 : vector<16xf32> to vector<1x16xf32>
      tpu.vector_store %arg8[%swap3A_384, %swap3A_385], %swap3A_388 {strides = array<i32>} : memref<40x128xf32, #tpu.memory_space<vmem>>, vector<1x16xf32>,
      %add3A_389 = arith.constant 0 : i32
      %add3A_390 = arith.addi %add3A_389, %add3A_350 : i32
      %get3A_391 = arith.constant 0 : i32
      %get3A_392 = arith.index_cast %get3A_391 : i32 to index
      %get3A_393 = arith.index_cast %add3A_390 : i32 to index
      %get3A_394 = arith.constant 32 : index
      %get3A_395 = tpu.vector_load %arg6[%get3A_392, %get3A_393, %get3A_394] {strides = array<i32>} : memref<2x80x128xf32, #tpu.memory_space<vmem>>, vector<1x1x16xf32>,
      %get3A_396 = vector.shape_cast %get3A_395 : vector<1x1x16xf32> to vector<16xf32>
      %get3A_397 = arith.constant 0 : i32
      %get3A_398 = arith.index_cast %get3A_397 : i32 to index
      %get3A_399 = arith.index_cast %add3A_390 : i32 to index
      %get3A_400 = arith.constant 96 : index
      %get3A_401 = tpu.vector_load %arg7[%get3A_398, %get3A_399, %get3A_400] {strides = array<i32>} : memref<2x80x128xf32, #tpu.memory_space<vmem>>, vector<1x1x16xf32>,
      %get3A_402 = vector.shape_cast %get3A_401 : vector<1x1x16xf32> to vector<16xf32>
      %add3A_403 = arith.addf %get3A_396, %get3A_402 : vector<16xf32>
      %swap3A_404 = arith.index_cast %add3A_350 : i32 to index
      %swap3A_405 = arith.constant 32 : index
      %swap3A_406 = tpu.vector_load %arg8[%swap3A_404, %swap3A_405] {strides = array<i32>} : memref<40x128xf32, #tpu.memory_space<vmem>>, vector<1x16xf32>,
      %swap3A_407 = vector.shape_cast %swap3A_406 : vector<1x16xf32> to vector<16xf32>
      %swap3A_408 = vector.shape_cast %add3A_403 : vector<16xf32> to vector<1x16xf32>
      tpu.vector_store %arg8[%swap3A_404, %swap3A_405], %swap3A_408 {strides = array<i32>} : memref<40x128xf32, #tpu.memory_space<vmem>>, vector<1x16xf32>,
      %add3A_409 = arith.constant 0 : i32
      %add3A_410 = arith.addi %add3A_409, %add3A_350 : i32
      %get3A_411 = arith.constant 0 : i32
      %get3A_412 = arith.index_cast %get3A_411 : i32 to index
      %get3A_413 = arith.index_cast %add3A_410 : i32 to index
      %get3A_414 = arith.constant 48 : index
      %get3A_415 = tpu.vector_load %arg6[%get3A_412, %get3A_413, %get3A_414] {strides = array<i32>} : memref<2x80x128xf32, #tpu.memory_space<vmem>>, vector<1x1x16xf32>,
      %get3A_416 = vector.shape_cast %get3A_415 : vector<1x1x16xf32> to vector<16xf32>
      %get3A_417 = arith.constant 0 : i32
      %get3A_418 = arith.index_cast %get3A_417 : i32 to index
      %get3A_419 = arith.index_cast %add3A_410 : i32 to index
      %get3A_420 = arith.constant 112 : index
      %get3A_421 = tpu.vector_load %arg7[%get3A_418, %get3A_419, %get3A_420] {strides = array<i32>} : memref<2x80x128xf32, #tpu.memory_space<vmem>>, vector<1x1x16xf32>,
      %get3A_422 = vector.shape_cast %get3A_421 : vector<1x1x16xf32> to vector<16xf32>
      %add3A_423 = arith.addf %get3A_416, %get3A_422 : vector<16xf32>
      %swap3A_424 = arith.index_cast %add3A_350 : i32 to index
      %swap3A_425 = arith.constant 48 : index
      %swap3A_426 = tpu.vector_load %arg8[%swap3A_424, %swap3A_425] {strides = array<i32>} : memref<40x128xf32, #tpu.memory_space<vmem>>, vector<1x16xf32>,
      %swap3A_427 = vector.shape_cast %swap3A_426 : vector<1x16xf32> to vector<16xf32>
      %swap3A_428 = vector.shape_cast %add3A_423 : vector<16xf32> to vector<1x16xf32>
      tpu.vector_store %arg8[%swap3A_424, %swap3A_425], %swap3A_428 {strides = array<i32>} : memref<40x128xf32, #tpu.memory_space<vmem>>, vector<1x16xf32>,
      %add3A_429 = arith.constant 40 : i32
      %add3A_430 = arith.addi %add3A_429, %add3A_350 : i32
      %get3A_431 = arith.constant 0 : i32
      %get3A_432 = arith.index_cast %get3A_431 : i32 to index
      %get3A_433 = arith.index_cast %add3A_430 : i32 to index
      %get3A_434 = arith.constant 0 : index
      %get3A_435 = tpu.vector_load %arg6[%get3A_432, %get3A_433, %get3A_434] {strides = array<i32>} : memref<2x80x128xf32, #tpu.memory_space<vmem>>, vector<1x1x16xf32>,
      %get3A_436 = vector.shape_cast %get3A_435 : vector<1x1x16xf32> to vector<16xf32>
      %get3A_437 = arith.constant 0 : i32
      %get3A_438 = arith.index_cast %get3A_437 : i32 to index
      %get3A_439 = arith.index_cast %add3A_430 : i32 to index
      %get3A_440 = arith.constant 64 : index
      %get3A_441 = tpu.vector_load %arg7[%get3A_438, %get3A_439, %get3A_440] {strides = array<i32>} : memref<2x80x128xf32, #tpu.memory_space<vmem>>, vector<1x1x16xf32>,
      %get3A_442 = vector.shape_cast %get3A_441 : vector<1x1x16xf32> to vector<16xf32>
      %add3A_443 = arith.addf %get3A_436, %get3A_442 : vector<16xf32>
      %swap3A_444 = arith.index_cast %add3A_350 : i32 to index
      %swap3A_445 = arith.constant 64 : index
      %swap3A_446 = tpu.vector_load %arg8[%swap3A_444, %swap3A_445] {strides = array<i32>} : memref<40x128xf32, #tpu.memory_space<vmem>>, vector<1x16xf32>,
      %swap3A_447 = vector.shape_cast %swap3A_446 : vector<1x16xf32> to vector<16xf32>
      %swap3A_448 = vector.shape_cast %add3A_443 : vector<16xf32> to vector<1x16xf32>
      tpu.vector_store %arg8[%swap3A_444, %swap3A_445], %swap3A_448 {strides = array<i32>} : memref<40x128xf32, #tpu.memory_space<vmem>>, vector<1x16xf32>,
      %add3A_449 = arith.constant 40 : i32
      %add3A_450 = arith.addi %add3A_449, %add3A_350 : i32
      %get3A_451 = arith.constant 0 : i32
      %get3A_452 = arith.index_cast %get3A_451 : i32 to index
      %get3A_453 = arith.index_cast %add3A_450 : i32 to index
      %get3A_454 = arith.constant 16 : index
      %get3A_455 = tpu.vector_load %arg6[%get3A_452, %get3A_453, %get3A_454] {strides = array<i32>} : memref<2x80x128xf32, #tpu.memory_space<vmem>>, vector<1x1x16xf32>,
      %get3A_456 = vector.shape_cast %get3A_455 : vector<1x1x16xf32> to vector<16xf32>
      %get3A_457 = arith.constant 0 : i32
      %get3A_458 = arith.index_cast %get3A_457 : i32 to index
      %get3A_459 = arith.index_cast %add3A_450 : i32 to index
      %get3A_460 = arith.constant 80 : index
      %get3A_461 = tpu.vector_load %arg7[%get3A_458, %get3A_459, %get3A_460] {strides = array<i32>} : memref<2x80x128xf32, #tpu.memory_space<vmem>>, vector<1x1x16xf32>,
      %get3A_462 = vector.shape_cast %get3A_461 : vector<1x1x16xf32> to vector<16xf32>
      %add3A_463 = arith.addf %get3A_456, %get3A_462 : vector<16xf32>
      %swap3A_464 = arith.index_cast %add3A_350 : i32 to index
      %swap3A_465 = arith.constant 80 : index
      %swap3A_466 = tpu.vector_load %arg8[%swap3A_464, %swap3A_465] {strides = array<i32>} : memref<40x128xf32, #tpu.memory_space<vmem>>, vector<1x16xf32>,
      %swap3A_467 = vector.shape_cast %swap3A_466 : vector<1x16xf32> to vector<16xf32>
      %swap3A_468 = vector.shape_cast %add3A_463 : vector<16xf32> to vector<1x16xf32>
      tpu.vector_store %arg8[%swap3A_464, %swap3A_465], %swap3A_468 {strides = array<i32>} : memref<40x128xf32, #tpu.memory_space<vmem>>, vector<1x16xf32>,
      %add3A_469 = arith.constant 40 : i32
      %add3A_470 = arith.addi %add3A_469, %add3A_350 : i32
      %get3A_471 = arith.constant 0 : i32
      %get3A_472 = arith.index_cast %get3A_471 : i32 to index
      %get3A_473 = arith.index_cast %add3A_470 : i32 to index
      %get3A_474 = arith.constant 32 : index
      %get3A_475 = tpu.vector_load %arg6[%get3A_472, %get3A_473, %get3A_474] {strides = array<i32>} : memref<2x80x128xf32, #tpu.memory_space<vmem>>, vector<1x1x16xf32>,
      %get3A_476 = vector.shape_cast %get3A_475 : vector<1x1x16xf32> to vector<16xf32>
      %get3A_477 = arith.constant 0 : i32
      %get3A_478 = arith.index_cast %get3A_477 : i32 to index
      %get3A_479 = arith.index_cast %add3A_470 : i32 to index
      %get3A_480 = arith.constant 96 : index
      %get3A_481 = tpu.vector_load %arg7[%get3A_478, %get3A_479, %get3A_480] {strides = array<i32>} : memref<2x80x128xf32, #tpu.memory_space<vmem>>, vector<1x1x16xf32>,
      %get3A_482 = vector.shape_cast %get3A_481 : vector<1x1x16xf32> to vector<16xf32>
      %add3A_483 = arith.addf %get3A_476, %get3A_482 : vector<16xf32>
      %swap3A_484 = arith.index_cast %add3A_350 : i32 to index
      %swap3A_485 = arith.constant 96 : index
      %swap3A_486 = tpu.vector_load %arg8[%swap3A_484, %swap3A_485] {strides = array<i32>} : memref<40x128xf32, #tpu.memory_space<vmem>>, vector<1x16xf32>,
      %swap3A_487 = vector.shape_cast %swap3A_486 : vector<1x16xf32> to vector<16xf32>
      %swap3A_488 = vector.shape_cast %add3A_483 : vector<16xf32> to vector<1x16xf32>
      tpu.vector_store %arg8[%swap3A_484, %swap3A_485], %swap3A_488 {strides = array<i32>} : memref<40x128xf32, #tpu.memory_space<vmem>>, vector<1x16xf32>,
      %add3A_489 = arith.constant 40 : i32
      %add3A_490 = arith.addi %add3A_489, %add3A_350 : i32
      %get3A_491 = arith.constant 0 : i32
      %get3A_492 = arith.index_cast %get3A_491 : i32 to index
      %get3A_493 = arith.index_cast %add3A_490 : i32 to index
      %get3A_494 = arith.constant 48 : index
      %get3A_495 = tpu.vector_load %arg6[%get3A_492, %get3A_493, %get3A_494] {strides = array<i32>} : memref<2x80x128xf32, #tpu.memory_space<vmem>>, vector<1x1x16xf32>,
      %get3A_496 = vector.shape_cast %get3A_495 : vector<1x1x16xf32> to vector<16xf32>
      %get3A_497 = arith.constant 0 : i32
      %get3A_498 = arith.index_cast %get3A_497 : i32 to index
      %get3A_499 = arith.index_cast %add3A_490 : i32 to index
      %get3A_500 = arith.constant 112 : index
      %get3A_501 = tpu.vector_load %arg7[%get3A_498, %get3A_499, %get3A_500] {strides = array<i32>} : memref<2x80x128xf32, #tpu.memory_space<vmem>>, vector<1x1x16xf32>,
      %get3A_502 = vector.shape_cast %get3A_501 : vector<1x1x16xf32> to vector<16xf32>
      %add3A_503 = arith.addf %get3A_496, %get3A_502 : vector<16xf32>
      %swap3A_504 = arith.index_cast %add3A_350 : i32 to index
      %swap3A_505 = arith.constant 112 : index
      %swap3A_506 = tpu.vector_load %arg8[%swap3A_504, %swap3A_505] {strides = array<i32>} : memref<40x128xf32, #tpu.memory_space<vmem>>, vector<1x16xf32>,
      %swap3A_507 = vector.shape_cast %swap3A_506 : vector<1x16xf32> to vector<16xf32>
      %swap3A_508 = vector.shape_cast %add3A_503 : vector<16xf32> to vector<1x16xf32>
      tpu.vector_store %arg8[%swap3A_504, %swap3A_505], %swap3A_508 {strides = array<i32>} : memref<40x128xf32, #tpu.memory_space<vmem>>, vector<1x16xf32>,
    }
    %scan3A_174 = arith.constant 40 : i32
    %add3A_175 = arith.constant 0 : i32
    %add3A_176 = arith.addi %mul3A_2, %add3A_175 : i32
    %mul3A_177 = arith.constant 40 : i32
    %mul3A_178 = arith.muli %add3A_176, %mul3A_177 : i32
    %dma_start3A_179 = arith.constant 0 : i32
    %dma_start3A_180 = tpu.memref_slice %arg4[%mul3A_178, %dma_start3A_179] : memref<160000x128xf32, #tpu.memory_space<hbm>> -> memref<40x128xf32, #tpu.memory_space<hbm>>
    %dma_start3A_181 = arith.constant 0 : i32
    %dma_start3A_182 = tpu.memref_slice %arg4[%mul3A_178, %dma_start3A_181] : memref<160000x128xf32, #tpu.memory_space<hbm>> -> memref<40x128xf32, #tpu.memory_space<hbm>>
    tpu.enqueue_dma source(%arg8 : memref<40x128xf32, #tpu.memory_space<vmem>>) target(%dma_start3A_182 : memref<40x128xf32, #tpu.memory_space<hbm>>) target_semaphore(%arg14 : memref<!tpu.dma_semaphore, #tpu.memory_space<semaphore_mem>>)
    %dma_wait3A_183 = arith.constant 0 : i32
    %dma_wait3A_184 = arith.constant 0 : i32
    %dma_wait3A_185 = arith.constant 0 : i32
    %dma_wait3A_186 = arith.constant 0 : i32
    %dma_wait3A_187 = tpu.memref_slice %arg5[%dma_wait3A_184, %dma_wait3A_185, %dma_wait3A_186] : memref<2x2x80xi32, #tpu.memory_space<vmem>> -> memref<1x2x80xi32, #tpu.memory_space<vmem>>
    %dma_wait3A_188 = tpu.memref_squeeze %dma_wait3A_187 : memref<1x2x80xi32, #tpu.memory_space<vmem>> -> memref<2x80xi32, #tpu.memory_space<vmem>>
    %dma_wait3A_189 = arith.constant 0 : i32
    %dma_wait3A_190 = arith.constant 0 : i32
    %dma_wait3A_191 = tpu.memref_slice %arg3[%add3A, %dma_wait3A_183, %dma_wait3A_189, %dma_wait3A_190] : memref<32x125x2x80xi32, #tpu.memory_space<hbm>> -> memref<1x1x2x80xi32, #tpu.memory_space<hbm>>
    %dma_wait3A_192 = tpu.memref_squeeze %dma_wait3A_191 : memref<1x1x2x80xi32, #tpu.memory_space<hbm>> -> memref<2x80xi32, #tpu.memory_space<hbm>>
    %dma_wait3A_193 = arith.constant 0 : i32
    %dma_wait3A_194 = arith.constant 0 : i32
    %dma_wait3A_195 = tpu.memref_slice %arg5[%dma_wait3A_184, %dma_wait3A_193, %dma_wait3A_194] : memref<2x2x80xi32, #tpu.memory_space<vmem>> -> memref<1x2x80xi32, #tpu.memory_space<vmem>>
    %dma_wait3A_196 = tpu.memref_squeeze %dma_wait3A_195 : memref<1x2x80xi32, #tpu.memory_space<vmem>> -> memref<2x80xi32, #tpu.memory_space<vmem>>
    %dma_wait3A_197 = arith.constant 0 : i32
    %dma_wait3A_198 = arith.constant 0 : i32
    %dma_wait3A_199 = tpu.memref_slice %arg3[%add3A, %dma_wait3A_183, %dma_wait3A_197, %dma_wait3A_198] : memref<32x125x2x80xi32, #tpu.memory_space<hbm>> -> memref<1x1x2x80xi32, #tpu.memory_space<hbm>>
    %dma_wait3A_200 = tpu.memref_squeeze %dma_wait3A_199 : memref<1x1x2x80xi32, #tpu.memory_space<hbm>> -> memref<2x80xi32, #tpu.memory_space<hbm>>
    tpu.wait_dma2 semaphore(%arg15 : memref<!tpu.dma_semaphore, #tpu.memory_space<semaphore_mem>>) src(%dma_wait3A_200 : memref<2x80xi32, #tpu.memory_space<hbm>>) dst(%dma_wait3A_196 : memref<2x80xi32, #tpu.memory_space<vmem>>)
    %dma_start3A_201 = arith.constant 0 : i32
    %dma_start3A_202 = arith.constant 0 : i32
    %dma_start3A_203 = arith.constant 0 : i32
    %dma_start3A_204 = arith.constant 0 : i32
    %dma_start3A_205 = arith.constant 0 : i32
    %dma_start3A_206 = tpu.memref_slice %arg6[%dma_start3A_203, %dma_start3A_204, %dma_start3A_205] : memref<2x80x128xf32, #tpu.memory_space<vmem>> -> memref<1x80x128xf32, #tpu.memory_space<vmem>>
    %dma_start3A_207 = tpu.memref_squeeze %dma_start3A_206 : memref<1x80x128xf32, #tpu.memory_space<vmem>> -> memref<80x128xf32, #tpu.memory_space<vmem>>
    %dma_start3A_208 = arith.constant 0 : i32
    %dma_start3A_209 = tpu.memref_slice %arg5[%dma_start3A_201, %dma_start3A_202, %dma_start3A_208] : memref<2x2x80xi32, #tpu.memory_space<vmem>> -> memref<1x1x80xi32, #tpu.memory_space<vmem>>
    %dma_start3A_210 = tpu.memref_squeeze %dma_start3A_209 : memref<1x1x80xi32, #tpu.memory_space<vmem>> -> memref<80xi32, #tpu.memory_space<vmem>>
    %dma_start3A_211 = arith.constant 0 : i32
    %dma_start3A_212 = arith.constant 0 : i32
    %dma_start3A_213 = tpu.memref_slice %arg9[%dma_start3A_211, %dma_start3A_212] : memref<10000x128xf32, #tpu.memory_space<vmem_shared>> -> memref<10000x128xf32, #tpu.memory_space<vmem_shared>>
    tpu.enqueue_indirect_dma source(%dma_start3A_213 : memref<10000x128xf32, #tpu.memory_space<vmem_shared>>) target(%dma_start3A_207 : memref<80x128xf32, #tpu.memory_space<vmem>>) offsets(%dma_start3A_210 : memref<80xi32, #tpu.memory_space<vmem>>) semaphore(%arg10 : memref<!tpu.dma_semaphore, #tpu.memory_space<semaphore_mem>>)
    %dma_start3A_214 = arith.constant 0 : i32
    %dma_start3A_215 = arith.constant 1 : i32
    %dma_start3A_216 = arith.constant 0 : i32
    %dma_start3A_217 = arith.constant 0 : i32
    %dma_start3A_218 = arith.constant 0 : i32
    %dma_start3A_219 = tpu.memref_slice %arg7[%dma_start3A_216, %dma_start3A_217, %dma_start3A_218] : memref<2x80x128xf32, #tpu.memory_space<vmem>> -> memref<1x80x128xf32, #tpu.memory_space<vmem>>
    %dma_start3A_220 = tpu.memref_squeeze %dma_start3A_219 : memref<1x80x128xf32, #tpu.memory_space<vmem>> -> memref<80x128xf32, #tpu.memory_space<vmem>>
    %dma_start3A_221 = arith.constant 0 : i32
    %dma_start3A_222 = tpu.memref_slice %arg5[%dma_start3A_214, %dma_start3A_215, %dma_start3A_221] : memref<2x2x80xi32, #tpu.memory_space<vmem>> -> memref<1x1x80xi32, #tpu.memory_space<vmem>>
    %dma_start3A_223 = tpu.memref_squeeze %dma_start3A_222 : memref<1x1x80xi32, #tpu.memory_space<vmem>> -> memref<80xi32, #tpu.memory_space<vmem>>
    %dma_start3A_224 = arith.constant 0 : i32
    %dma_start3A_225 = arith.constant 0 : i32
    %dma_start3A_226 = tpu.memref_slice %arg9[%dma_start3A_224, %dma_start3A_225] : memref<10000x128xf32, #tpu.memory_space<vmem_shared>> -> memref<10000x128xf32, #tpu.memory_space<vmem_shared>>
    tpu.enqueue_indirect_dma source(%dma_start3A_226 : memref<10000x128xf32, #tpu.memory_space<vmem_shared>>) target(%dma_start3A_220 : memref<80x128xf32, #tpu.memory_space<vmem>>) offsets(%dma_start3A_223 : memref<80xi32, #tpu.memory_space<vmem>>) semaphore(%arg12 : memref<!tpu.dma_semaphore, #tpu.memory_space<semaphore_mem>>)
    %dma_wait3A_227 = arith.constant 1 : i32
    %dma_wait3A_228 = arith.constant 0 : i32
    %dma_wait3A_229 = arith.constant 1 : i32
    %dma_wait3A_230 = arith.constant 0 : i32
    %dma_wait3A_231 = arith.constant 0 : i32
    %dma_wait3A_232 = tpu.memref_slice %arg6[%dma_wait3A_229, %dma_wait3A_230, %dma_wait3A_231] : memref<2x80x128xf32, #tpu.memory_space<vmem>> -> memref<1x80x128xf32, #tpu.memory_space<vmem>>
    %dma_wait3A_233 = tpu.memref_squeeze %dma_wait3A_232 : memref<1x80x128xf32, #tpu.memory_space<vmem>> -> memref<80x128xf32, #tpu.memory_space<vmem>>
    %dma_wait3A_234 = arith.constant 0 : i32
    %dma_wait3A_235 = tpu.memref_slice %arg5[%dma_wait3A_227, %dma_wait3A_228, %dma_wait3A_234] : memref<2x2x80xi32, #tpu.memory_space<vmem>> -> memref<1x1x80xi32, #tpu.memory_space<vmem>>
    %dma_wait3A_236 = tpu.memref_squeeze %dma_wait3A_235 : memref<1x1x80xi32, #tpu.memory_space<vmem>> -> memref<80xi32, #tpu.memory_space<vmem>>
    %dma_wait3A_237 = arith.constant 0 : i32
    %dma_wait3A_238 = arith.constant 0 : i32
    %dma_wait3A_239 = tpu.memref_slice %arg9[%dma_wait3A_237, %dma_wait3A_238] : memref<10000x128xf32, #tpu.memory_space<vmem_shared>> -> memref<10000x128xf32, #tpu.memory_space<vmem_shared>>
    tpu.wait_indirect_dma semaphore(%arg11 : memref<!tpu.dma_semaphore, #tpu.memory_space<semaphore_mem>>) src(%dma_wait3A_239 : memref<10000x128xf32, #tpu.memory_space<vmem_shared>>) dst(%dma_wait3A_233 : memref<80x128xf32, #tpu.memory_space<vmem>>)
    %dma_wait3A_240 = arith.constant 1 : i32
    %dma_wait3A_241 = arith.constant 1 : i32
    %dma_wait3A_242 = arith.constant 1 : i32
    %dma_wait3A_243 = arith.constant 0 : i32
    %dma_wait3A_244 = arith.constant 0 : i32
    %dma_wait3A_245 = tpu.memref_slice %arg7[%dma_wait3A_242, %dma_wait3A_243, %dma_wait3A_244] : memref<2x80x128xf32, #tpu.memory_space<vmem>> -> memref<1x80x128xf32, #tpu.memory_space<vmem>>
    %dma_wait3A_246 = tpu.memref_squeeze %dma_wait3A_245 : memref<1x80x128xf32, #tpu.memory_space<vmem>> -> memref<80x128xf32, #tpu.memory_space<vmem>>
    %dma_wait3A_247 = arith.constant 0 : i32
    %dma_wait3A_248 = tpu.memref_slice %arg5[%dma_wait3A_240, %dma_wait3A_241, %dma_wait3A_247] : memref<2x2x80xi32, #tpu.memory_space<vmem>> -> memref<1x1x80xi32, #tpu.memory_space<vmem>>
    %dma_wait3A_249 = tpu.memref_squeeze %dma_wait3A_248 : memref<1x1x80xi32, #tpu.memory_space<vmem>> -> memref<80xi32, #tpu.memory_space<vmem>>
    %dma_wait3A_250 = arith.constant 0 : i32
    %dma_wait3A_251 = arith.constant 0 : i32
    %dma_wait3A_252 = tpu.memref_slice %arg9[%dma_wait3A_250, %dma_wait3A_251] : memref<10000x128xf32, #tpu.memory_space<vmem_shared>> -> memref<10000x128xf32, #tpu.memory_space<vmem_shared>>
    tpu.wait_indirect_dma semaphore(%arg13 : memref<!tpu.dma_semaphore, #tpu.memory_space<semaphore_mem>>) src(%dma_wait3A_252 : memref<10000x128xf32, #tpu.memory_space<vmem_shared>>) dst(%dma_wait3A_246 : memref<80x128xf32, #tpu.memory_space<vmem>>)
    %dma_start3A_253 = arith.constant 3 : i32
    %dma_start3A_254 = arith.constant 1 : i32
    %dma_start3A_255 = arith.constant 0 : i32
    %dma_start3A_256 = arith.constant 0 : i32
    %dma_start3A_257 = tpu.memref_slice %arg5[%dma_start3A_254, %dma_start3A_255, %dma_start3A_256] : memref<2x2x80xi32, #tpu.memory_space<vmem>> -> memref<1x2x80xi32, #tpu.memory_space<vmem>>
    %dma_start3A_258 = tpu.memref_squeeze %dma_start3A_257 : memref<1x2x80xi32, #tpu.memory_space<vmem>> -> memref<2x80xi32, #tpu.memory_space<vmem>>
    %dma_start3A_259 = arith.constant 0 : i32
    %dma_start3A_260 = arith.constant 0 : i32
    %dma_start3A_261 = tpu.memref_slice %arg3[%add3A, %dma_start3A_253, %dma_start3A_259, %dma_start3A_260] : memref<32x125x2x80xi32, #tpu.memory_space<hbm>> -> memref<1x1x2x80xi32, #tpu.memory_space<hbm>>
    %dma_start3A_262 = tpu.memref_squeeze %dma_start3A_261 : memref<1x1x2x80xi32, #tpu.memory_space<hbm>> -> memref<2x80xi32, #tpu.memory_space<hbm>>
    %dma_start3A_263 = arith.constant 0 : i32
    %dma_start3A_264 = arith.constant 0 : i32
    %dma_start3A_265 = tpu.memref_slice %arg5[%dma_start3A_254, %dma_start3A_263, %dma_start3A_264] : memref<2x2x80xi32, #tpu.memory_space<vmem>> -> memref<1x2x80xi32, #tpu.memory_space<vmem>>
    %dma_start3A_266 = tpu.memref_squeeze %dma_start3A_265 : memref<1x2x80xi32, #tpu.memory_space<vmem>> -> memref<2x80xi32, #tpu.memory_space<vmem>>
    %dma_start3A_267 = arith.constant 0 : i32
    %dma_start3A_268 = arith.constant 0 : i32
    %dma_start3A_269 = tpu.memref_slice %arg3[%add3A, %dma_start3A_253, %dma_start3A_267, %dma_start3A_268] : memref<32x125x2x80xi32, #tpu.memory_space<hbm>> -> memref<1x1x2x80xi32, #tpu.memory_space<hbm>>
    %dma_start3A_270 = tpu.memref_squeeze %dma_start3A_269 : memref<1x1x2x80xi32, #tpu.memory_space<hbm>> -> memref<2x80xi32, #tpu.memory_space<hbm>>
    tpu.enqueue_dma source(%dma_start3A_270 : memref<2x80xi32, #tpu.memory_space<hbm>>) target(%dma_start3A_266 : memref<2x80xi32, #tpu.memory_space<vmem>>) target_semaphore(%arg16 : memref<!tpu.dma_semaphore, #tpu.memory_space<semaphore_mem>>)
    %dma_wait3A_271 = arith.constant 0 : i32
    %dma_wait3A_272 = arith.constant 0 : i32
    %dma_wait3A_273 = tpu.memref_slice %arg4[%dma_wait3A_271, %dma_wait3A_272] : memref<160000x128xf32, #tpu.memory_space<hbm>> -> memref<40x128xf32, #tpu.memory_space<hbm>>
    %dma_wait3A_274 = arith.constant 0 : i32
    %dma_wait3A_275 = arith.constant 0 : i32
    %dma_wait3A_276 = tpu.memref_slice %arg4[%dma_wait3A_274, %dma_wait3A_275] : memref<160000x128xf32, #tpu.memory_space<hbm>> -> memref<40x128xf32, #tpu.memory_space<hbm>>
    tpu.wait_dma2 semaphore(%arg14 : memref<!tpu.dma_semaphore, #tpu.memory_space<semaphore_mem>>) src(%arg8 : memref<40x128xf32, #tpu.memory_space<vmem>>) dst(%dma_wait3A_276 : memref<40x128xf32, #tpu.memory_space<hbm>>)
    %scan3A_277 = arith.constant 0 : i32
    %scan3A_278 = arith.constant 40 : i32
    %scan3A_279 = arith.addi %scan3A_277, %scan3A_278 : i32
    %scan3A_280 = arith.constant 1 : i32
    scf.for %scan3A_346 = %scan3A_277 to %scan3A_279 step %scan3A_280  : i32 {
      %mul3A_347 = arith.constant 1 : i32
      %mul3A_348 = arith.muli %scan3A_346, %mul3A_347 : i32
      %add3A_349 = arith.constant 0 : i32
      %add3A_350 = arith.addi %add3A_349, %mul3A_348 : i32
      %add3A_351 = arith.constant 0 : i32
      %add3A_352 = arith.addi %add3A_351, %add3A_350 : i32
      %get3A = arith.constant 1 : i32
      %get3A_353 = arith.index_cast %get3A : i32 to index
      %get3A_354 = arith.index_cast %add3A_352 : i32 to index
      %get3A_355 = arith.constant 0 : index
      %get3A_356 = tpu.vector_load %arg6[%get3A_353, %get3A_354, %get3A_355] {strides = array<i32>} : memref<2x80x128xf32, #tpu.memory_space<vmem>>, vector<1x1x16xf32>,
      %get3A_357 = vector.shape_cast %get3A_356 : vector<1x1x16xf32> to vector<16xf32>
      %get3A_358 = arith.constant 1 : i32
      %get3A_359 = arith.index_cast %get3A_358 : i32 to index
      %get3A_360 = arith.index_cast %add3A_352 : i32 to index
      %get3A_361 = arith.constant 64 : index
      %get3A_362 = tpu.vector_load %arg7[%get3A_359, %get3A_360, %get3A_361] {strides = array<i32>} : memref<2x80x128xf32, #tpu.memory_space<vmem>>, vector<1x1x16xf32>,
      %get3A_363 = vector.shape_cast %get3A_362 : vector<1x1x16xf32> to vector<16xf32>
      %add3A_364 = arith.addf %get3A_357, %get3A_363 : vector<16xf32>
      %swap3A = arith.index_cast %add3A_350 : i32 to index
      %swap3A_365 = arith.constant 0 : index
      %swap3A_366 = tpu.vector_load %arg8[%swap3A, %swap3A_365] {strides = array<i32>} : memref<40x128xf32, #tpu.memory_space<vmem>>, vector<1x16xf32>,
      %swap3A_367 = vector.shape_cast %swap3A_366 : vector<1x16xf32> to vector<16xf32>
      %swap3A_368 = vector.shape_cast %add3A_364 : vector<16xf32> to vector<1x16xf32>
      tpu.vector_store %arg8[%swap3A, %swap3A_365], %swap3A_368 {strides = array<i32>} : memref<40x128xf32, #tpu.memory_space<vmem>>, vector<1x16xf32>,
      %add3A_369 = arith.constant 0 : i32
      %add3A_370 = arith.addi %add3A_369, %add3A_350 : i32
      %get3A_371 = arith.constant 1 : i32
      %get3A_372 = arith.index_cast %get3A_371 : i32 to index
      %get3A_373 = arith.index_cast %add3A_370 : i32 to index
      %get3A_374 = arith.constant 16 : index
      %get3A_375 = tpu.vector_load %arg6[%get3A_372, %get3A_373, %get3A_374] {strides = array<i32>} : memref<2x80x128xf32, #tpu.memory_space<vmem>>, vector<1x1x16xf32>,
      %get3A_376 = vector.shape_cast %get3A_375 : vector<1x1x16xf32> to vector<16xf32>
      %get3A_377 = arith.constant 1 : i32
      %get3A_378 = arith.index_cast %get3A_377 : i32 to index
      %get3A_379 = arith.index_cast %add3A_370 : i32 to index
      %get3A_380 = arith.constant 80 : index
      %get3A_381 = tpu.vector_load %arg7[%get3A_378, %get3A_379, %get3A_380] {strides = array<i32>} : memref<2x80x128xf32, #tpu.memory_space<vmem>>, vector<1x1x16xf32>,
      %get3A_382 = vector.shape_cast %get3A_381 : vector<1x1x16xf32> to vector<16xf32>
      %add3A_383 = arith.addf %get3A_376, %get3A_382 : vector<16xf32>
      %swap3A_384 = arith.index_cast %add3A_350 : i32 to index
      %swap3A_385 = arith.constant 16 : index
      %swap3A_386 = tpu.vector_load %arg8[%swap3A_384, %swap3A_385] {strides = array<i32>} : memref<40x128xf32, #tpu.memory_space<vmem>>, vector<1x16xf32>,
      %swap3A_387 = vector.shape_cast %swap3A_386 : vector<1x16xf32> to vector<16xf32>
      %swap3A_388 = vector.shape_cast %add3A_383 : vector<16xf32> to vector<1x16xf32>
      tpu.vector_store %arg8[%swap3A_384, %swap3A_385], %swap3A_388 {strides = array<i32>} : memref<40x128xf32, #tpu.memory_space<vmem>>, vector<1x16xf32>,
      %add3A_389 = arith.constant 0 : i32
      %add3A_390 = arith.addi %add3A_389, %add3A_350 : i32
      %get3A_391 = arith.constant 1 : i32
      %get3A_392 = arith.index_cast %get3A_391 : i32 to index
      %get3A_393 = arith.index_cast %add3A_390 : i32 to index
      %get3A_394 = arith.constant 32 : index
      %get3A_395 = tpu.vector_load %arg6[%get3A_392, %get3A_393, %get3A_394] {strides = array<i32>} : memref<2x80x128xf32, #tpu.memory_space<vmem>>, vector<1x1x16xf32>,
      %get3A_396 = vector.shape_cast %get3A_395 : vector<1x1x16xf32> to vector<16xf32>
      %get3A_397 = arith.constant 1 : i32
      %get3A_398 = arith.index_cast %get3A_397 : i32 to index
      %get3A_399 = arith.index_cast %add3A_390 : i32 to index
      %get3A_400 = arith.constant 96 : index
      %get3A_401 = tpu.vector_load %arg7[%get3A_398, %get3A_399, %get3A_400] {strides = array<i32>} : memref<2x80x128xf32, #tpu.memory_space<vmem>>, vector<1x1x16xf32>,
      %get3A_402 = vector.shape_cast %get3A_401 : vector<1x1x16xf32> to vector<16xf32>
      %add3A_403 = arith.addf %get3A_396, %get3A_402 : vector<16xf32>
      %swap3A_404 = arith.index_cast %add3A_350 : i32 to index
      %swap3A_405 = arith.constant 32 : index
      %swap3A_406 = tpu.vector_load %arg8[%swap3A_404, %swap3A_405] {strides = array<i32>} : memref<40x128xf32, #tpu.memory_space<vmem>>, vector<1x16xf32>,
      %swap3A_407 = vector.shape_cast %swap3A_406 : vector<1x16xf32> to vector<16xf32>
      %swap3A_408 = vector.shape_cast %add3A_403 : vector<16xf32> to vector<1x16xf32>
      tpu.vector_store %arg8[%swap3A_404, %swap3A_405], %swap3A_408 {strides = array<i32>} : memref<40x128xf32, #tpu.memory_space<vmem>>, vector<1x16xf32>,
      %add3A_409 = arith.constant 0 : i32
      %add3A_410 = arith.addi %add3A_409, %add3A_350 : i32
      %get3A_411 = arith.constant 1 : i32
      %get3A_412 = arith.index_cast %get3A_411 : i32 to index
      %get3A_413 = arith.index_cast %add3A_410 : i32 to index
      %get3A_414 = arith.constant 48 : index
      %get3A_415 = tpu.vector_load %arg6[%get3A_412, %get3A_413, %get3A_414] {strides = array<i32>} : memref<2x80x128xf32, #tpu.memory_space<vmem>>, vector<1x1x16xf32>,
      %get3A_416 = vector.shape_cast %get3A_415 : vector<1x1x16xf32> to vector<16xf32>
      %get3A_417 = arith.constant 1 : i32
      %get3A_418 = arith.index_cast %get3A_417 : i32 to index
      %get3A_419 = arith.index_cast %add3A_410 : i32 to index
      %get3A_420 = arith.constant 112 : index
      %get3A_421 = tpu.vector_load %arg7[%get3A_418, %get3A_419, %get3A_420] {strides = array<i32>} : memref<2x80x128xf32, #tpu.memory_space<vmem>>, vector<1x1x16xf32>,
      %get3A_422 = vector.shape_cast %get3A_421 : vector<1x1x16xf32> to vector<16xf32>
      %add3A_423 = arith.addf %get3A_416, %get3A_422 : vector<16xf32>
      %swap3A_424 = arith.index_cast %add3A_350 : i32 to index
      %swap3A_425 = arith.constant 48 : index
      %swap3A_426 = tpu.vector_load %arg8[%swap3A_424, %swap3A_425] {strides = array<i32>} : memref<40x128xf32, #tpu.memory_space<vmem>>, vector<1x16xf32>,
      %swap3A_427 = vector.shape_cast %swap3A_426 : vector<1x16xf32> to vector<16xf32>
      %swap3A_428 = vector.shape_cast %add3A_423 : vector<16xf32> to vector<1x16xf32>
      tpu.vector_store %arg8[%swap3A_424, %swap3A_425], %swap3A_428 {strides = array<i32>} : memref<40x128xf32, #tpu.memory_space<vmem>>, vector<1x16xf32>,
      %add3A_429 = arith.constant 40 : i32
      %add3A_430 = arith.addi %add3A_429, %add3A_350 : i32
      %get3A_431 = arith.constant 1 : i32
      %get3A_432 = arith.index_cast %get3A_431 : i32 to index
      %get3A_433 = arith.index_cast %add3A_430 : i32 to index
      %get3A_434 = arith.constant 0 : index
      %get3A_435 = tpu.vector_load %arg6[%get3A_432, %get3A_433, %get3A_434] {strides = array<i32>} : memref<2x80x128xf32, #tpu.memory_space<vmem>>, vector<1x1x16xf32>,
      %get3A_436 = vector.shape_cast %get3A_435 : vector<1x1x16xf32> to vector<16xf32>
      %get3A_437 = arith.constant 1 : i32
      %get3A_438 = arith.index_cast %get3A_437 : i32 to index
      %get3A_439 = arith.index_cast %add3A_430 : i32 to index
      %get3A_440 = arith.constant 64 : index
      %get3A_441 = tpu.vector_load %arg7[%get3A_438, %get3A_439, %get3A_440] {strides = array<i32>} : memref<2x80x128xf32, #tpu.memory_space<vmem>>, vector<1x1x16xf32>,
      %get3A_442 = vector.shape_cast %get3A_441 : vector<1x1x16xf32> to vector<16xf32>
      %add3A_443 = arith.addf %get3A_436, %get3A_442 : vector<16xf32>
      %swap3A_444 = arith.index_cast %add3A_350 : i32 to index
      %swap3A_445 = arith.constant 64 : index
      %swap3A_446 = tpu.vector_load %arg8[%swap3A_444, %swap3A_445] {strides = array<i32>} : memref<40x128xf32, #tpu.memory_space<vmem>>, vector<1x16xf32>,
      %swap3A_447 = vector.shape_cast %swap3A_446 : vector<1x16xf32> to vector<16xf32>
      %swap3A_448 = vector.shape_cast %add3A_443 : vector<16xf32> to vector<1x16xf32>
      tpu.vector_store %arg8[%swap3A_444, %swap3A_445], %swap3A_448 {strides = array<i32>} : memref<40x128xf32, #tpu.memory_space<vmem>>, vector<1x16xf32>,
      %add3A_449 = arith.constant 40 : i32
      %add3A_450 = arith.addi %add3A_449, %add3A_350 : i32
      %get3A_451 = arith.constant 1 : i32
      %get3A_452 = arith.index_cast %get3A_451 : i32 to index
      %get3A_453 = arith.index_cast %add3A_450 : i32 to index
      %get3A_454 = arith.constant 16 : index
      %get3A_455 = tpu.vector_load %arg6[%get3A_452, %get3A_453, %get3A_454] {strides = array<i32>} : memref<2x80x128xf32, #tpu.memory_space<vmem>>, vector<1x1x16xf32>,
      %get3A_456 = vector.shape_cast %get3A_455 : vector<1x1x16xf32> to vector<16xf32>
      %get3A_457 = arith.constant 1 : i32
      %get3A_458 = arith.index_cast %get3A_457 : i32 to index
      %get3A_459 = arith.index_cast %add3A_450 : i32 to index
      %get3A_460 = arith.constant 80 : index
      %get3A_461 = tpu.vector_load %arg7[%get3A_458, %get3A_459, %get3A_460] {strides = array<i32>} : memref<2x80x128xf32, #tpu.memory_space<vmem>>, vector<1x1x16xf32>,
      %get3A_462 = vector.shape_cast %get3A_461 : vector<1x1x16xf32> to vector<16xf32>
      %add3A_463 = arith.addf %get3A_456, %get3A_462 : vector<16xf32>
      %swap3A_464 = arith.index_cast %add3A_350 : i32 to index
      %swap3A_465 = arith.constant 80 : index
      %swap3A_466 = tpu.vector_load %arg8[%swap3A_464, %swap3A_465] {strides = array<i32>} : memref<40x128xf32, #tpu.memory_space<vmem>>, vector<1x16xf32>,
      %swap3A_467 = vector.shape_cast %swap3A_466 : vector<1x16xf32> to vector<16xf32>
      %swap3A_468 = vector.shape_cast %add3A_463 : vector<16xf32> to vector<1x16xf32>
      tpu.vector_store %arg8[%swap3A_464, %swap3A_465], %swap3A_468 {strides = array<i32>} : memref<40x128xf32, #tpu.memory_space<vmem>>, vector<1x16xf32>,
      %add3A_469 = arith.constant 40 : i32
      %add3A_470 = arith.addi %add3A_469, %add3A_350 : i32
      %get3A_471 = arith.constant 1 : i32
      %get3A_472 = arith.index_cast %get3A_471 : i32 to index
      %get3A_473 = arith.index_cast %add3A_470 : i32 to index
      %get3A_474 = arith.constant 32 : index
      %get3A_475 = tpu.vector_load %arg6[%get3A_472, %get3A_473, %get3A_474] {strides = array<i32>} : memref<2x80x128xf32, #tpu.memory_space<vmem>>, vector<1x1x16xf32>,
      %get3A_476 = vector.shape_cast %get3A_475 : vector<1x1x16xf32> to vector<16xf32>
      %get3A_477 = arith.constant 1 : i32
      %get3A_478 = arith.index_cast %get3A_477 : i32 to index
      %get3A_479 = arith.index_cast %add3A_470 : i32 to index
      %get3A_480 = arith.constant 96 : index
      %get3A_481 = tpu.vector_load %arg7[%get3A_478, %get3A_479, %get3A_480] {strides = array<i32>} : memref<2x80x128xf32, #tpu.memory_space<vmem>>, vector<1x1x16xf32>,
      %get3A_482 = vector.shape_cast %get3A_481 : vector<1x1x16xf32> to vector<16xf32>
      %add3A_483 = arith.addf %get3A_476, %get3A_482 : vector<16xf32>
      %swap3A_484 = arith.index_cast %add3A_350 : i32 to index
      %swap3A_485 = arith.constant 96 : index
      %swap3A_486 = tpu.vector_load %arg8[%swap3A_484, %swap3A_485] {strides = array<i32>} : memref<40x128xf32, #tpu.memory_space<vmem>>, vector<1x16xf32>,
      %swap3A_487 = vector.shape_cast %swap3A_486 : vector<1x16xf32> to vector<16xf32>
      %swap3A_488 = vector.shape_cast %add3A_483 : vector<16xf32> to vector<1x16xf32>
      tpu.vector_store %arg8[%swap3A_484, %swap3A_485], %swap3A_488 {strides = array<i32>} : memref<40x128xf32, #tpu.memory_space<vmem>>, vector<1x16xf32>,
      %add3A_489 = arith.constant 40 : i32
      %add3A_490 = arith.addi %add3A_489, %add3A_350 : i32
      %get3A_491 = arith.constant 1 : i32
      %get3A_492 = arith.index_cast %get3A_491 : i32 to index
      %get3A_493 = arith.index_cast %add3A_490 : i32 to index
      %get3A_494 = arith.constant 48 : index
      %get3A_495 = tpu.vector_load %arg6[%get3A_492, %get3A_493, %get3A_494] {strides = array<i32>} : memref<2x80x128xf32, #tpu.memory_space<vmem>>, vector<1x1x16xf32>,
      %get3A_496 = vector.shape_cast %get3A_495 : vector<1x1x16xf32> to vector<16xf32>
      %get3A_497 = arith.constant 1 : i32
      %get3A_498 = arith.index_cast %get3A_497 : i32 to index
      %get3A_499 = arith.index_cast %add3A_490 : i32 to index
      %get3A_500 = arith.constant 112 : index
      %get3A_501 = tpu.vector_load %arg7[%get3A_498, %get3A_499, %get3A_500] {strides = array<i32>} : memref<2x80x128xf32, #tpu.memory_space<vmem>>, vector<1x1x16xf32>,
      %get3A_502 = vector.shape_cast %get3A_501 : vector<1x1x16xf32> to vector<16xf32>
      %add3A_503 = arith.addf %get3A_496, %get3A_502 : vector<16xf32>
      %swap3A_504 = arith.index_cast %add3A_350 : i32 to index
      %swap3A_505 = arith.constant 112 : index
      %swap3A_506 = tpu.vector_load %arg8[%swap3A_504, %swap3A_505] {strides = array<i32>} : memref<40x128xf32, #tpu.memory_space<vmem>>, vector<1x16xf32>,
      %swap3A_507 = vector.shape_cast %swap3A_506 : vector<1x16xf32> to vector<16xf32>
      %swap3A_508 = vector.shape_cast %add3A_503 : vector<16xf32> to vector<1x16xf32>
      tpu.vector_store %arg8[%swap3A_504, %swap3A_505], %swap3A_508 {strides = array<i32>} : memref<40x128xf32, #tpu.memory_space<vmem>>, vector<1x16xf32>,
    }
    %scan3A_281 = arith.constant 40 : i32
    %add3A_282 = arith.constant 1 : i32
    %add3A_283 = arith.addi %mul3A_2, %add3A_282 : i32
    %mul3A_284 = arith.constant 40 : i32
    %mul3A_285 = arith.muli %add3A_283, %mul3A_284 : i32
    %dma_start3A_286 = arith.constant 0 : i32
    %dma_start3A_287 = tpu.memref_slice %arg4[%mul3A_285, %dma_start3A_286] : memref<160000x128xf32, #tpu.memory_space<hbm>> -> memref<40x128xf32, #tpu.memory_space<hbm>>
    %dma_start3A_288 = arith.constant 0 : i32
    %dma_start3A_289 = tpu.memref_slice %arg4[%mul3A_285, %dma_start3A_288] : memref<160000x128xf32, #tpu.memory_space<hbm>> -> memref<40x128xf32, #tpu.memory_space<hbm>>
    tpu.enqueue_dma source(%arg8 : memref<40x128xf32, #tpu.memory_space<vmem>>) target(%dma_start3A_289 : memref<40x128xf32, #tpu.memory_space<hbm>>) target_semaphore(%arg14 : memref<!tpu.dma_semaphore, #tpu.memory_space<semaphore_mem>>)
    %scan3A_290 = arith.constant 0 : i32
    %scan3A_291 = arith.constant 61 : i32
    %scan3A_292 = arith.addi %scan3A_290, %scan3A_291 : i32
    %scan3A_293 = arith.constant 1 : i32
    scf.for %scan3A_346 = %scan3A_290 to %scan3A_292 step %scan3A_293  : i32 {
      %mul3A_347 = arith.constant 1 : i32
      %mul3A_348 = arith.muli %scan3A_346, %mul3A_347 : i32
      %add3A_349 = arith.constant 1 : i32
      %add3A_350 = arith.addi %add3A_349, %mul3A_348 : i32
      %mul3A_351 = arith.constant 2 : i32
      %mul3A_352 = arith.muli %mul3A_351, %add3A_350 : i32
      %add3A_353 = arith.constant 0 : i32
      %add3A_354 = arith.addi %mul3A_352, %add3A_353 : i32
      %dma_wait3A_355 = arith.constant 0 : i32
      %dma_wait3A_356 = arith.constant 1 : i32
      %dma_wait3A_357 = arith.constant 0 : i32
      %dma_wait3A_358 = arith.constant 0 : i32
      %dma_wait3A_359 = tpu.memref_slice %arg5[%dma_wait3A_356, %dma_wait3A_357, %dma_wait3A_358] : memref<2x2x80xi32, #tpu.memory_space<vmem>> -> memref<1x2x80xi32, #tpu.memory_space<vmem>>
      %dma_wait3A_360 = tpu.memref_squeeze %dma_wait3A_359 : memref<1x2x80xi32, #tpu.memory_space<vmem>> -> memref<2x80xi32, #tpu.memory_space<vmem>>
      %dma_wait3A_361 = arith.constant 0 : i32
      %dma_wait3A_362 = arith.constant 0 : i32
      %dma_wait3A_363 = tpu.memref_slice %arg3[%add3A, %dma_wait3A_355, %dma_wait3A_361, %dma_wait3A_362] : memref<32x125x2x80xi32, #tpu.memory_space<hbm>> -> memref<1x1x2x80xi32, #tpu.memory_space<hbm>>
      %dma_wait3A_364 = tpu.memref_squeeze %dma_wait3A_363 : memref<1x1x2x80xi32, #tpu.memory_space<hbm>> -> memref<2x80xi32, #tpu.memory_space<hbm>>
      %dma_wait3A_365 = arith.constant 0 : i32
      %dma_wait3A_366 = arith.constant 0 : i32
      %dma_wait3A_367 = tpu.memref_slice %arg5[%dma_wait3A_356, %dma_wait3A_365, %dma_wait3A_366] : memref<2x2x80xi32, #tpu.memory_space<vmem>> -> memref<1x2x80xi32, #tpu.memory_space<vmem>>
      %dma_wait3A_368 = tpu.memref_squeeze %dma_wait3A_367 : memref<1x2x80xi32, #tpu.memory_space<vmem>> -> memref<2x80xi32, #tpu.memory_space<vmem>>
      %dma_wait3A_369 = arith.constant 0 : i32
      %dma_wait3A_370 = arith.constant 0 : i32
      %dma_wait3A_371 = tpu.memref_slice %arg3[%add3A, %dma_wait3A_355, %dma_wait3A_369, %dma_wait3A_370] : memref<32x125x2x80xi32, #tpu.memory_space<hbm>> -> memref<1x1x2x80xi32, #tpu.memory_space<hbm>>
      %dma_wait3A_372 = tpu.memref_squeeze %dma_wait3A_371 : memref<1x1x2x80xi32, #tpu.memory_space<hbm>> -> memref<2x80xi32, #tpu.memory_space<hbm>>
      tpu.wait_dma2 semaphore(%arg16 : memref<!tpu.dma_semaphore, #tpu.memory_space<semaphore_mem>>) src(%dma_wait3A_372 : memref<2x80xi32, #tpu.memory_space<hbm>>) dst(%dma_wait3A_368 : memref<2x80xi32, #tpu.memory_space<vmem>>)
      %dma_start3A_373 = arith.constant 1 : i32
      %dma_start3A_374 = arith.constant 0 : i32
      %dma_start3A_375 = arith.constant 1 : i32
      %dma_start3A_376 = arith.constant 0 : i32
      %dma_start3A_377 = arith.constant 0 : i32
      %dma_start3A_378 = tpu.memref_slice %arg6[%dma_start3A_375, %dma_start3A_376, %dma_start3A_377] : memref<2x80x128xf32, #tpu.memory_space<vmem>> -> memref<1x80x128xf32, #tpu.memory_space<vmem>>
      %dma_start3A_379 = tpu.memref_squeeze %dma_start3A_378 : memref<1x80x128xf32, #tpu.memory_space<vmem>> -> memref<80x128xf32, #tpu.memory_space<vmem>>
      %dma_start3A_380 = arith.constant 0 : i32
      %dma_start3A_381 = tpu.memref_slice %arg5[%dma_start3A_373, %dma_start3A_374, %dma_start3A_380] : memref<2x2x80xi32, #tpu.memory_space<vmem>> -> memref<1x1x80xi32, #tpu.memory_space<vmem>>
      %dma_start3A_382 = tpu.memref_squeeze %dma_start3A_381 : memref<1x1x80xi32, #tpu.memory_space<vmem>> -> memref<80xi32, #tpu.memory_space<vmem>>
      %dma_start3A_383 = arith.constant 0 : i32
      %dma_start3A_384 = arith.constant 0 : i32
      %dma_start3A_385 = tpu.memref_slice %arg9[%dma_start3A_383, %dma_start3A_384] : memref<10000x128xf32, #tpu.memory_space<vmem_shared>> -> memref<10000x128xf32, #tpu.memory_space<vmem_shared>>
      tpu.enqueue_indirect_dma source(%dma_start3A_385 : memref<10000x128xf32, #tpu.memory_space<vmem_shared>>) target(%dma_start3A_379 : memref<80x128xf32, #tpu.memory_space<vmem>>) offsets(%dma_start3A_382 : memref<80xi32, #tpu.memory_space<vmem>>) semaphore(%arg11 : memref<!tpu.dma_semaphore, #tpu.memory_space<semaphore_mem>>)
      %dma_start3A_386 = arith.constant 1 : i32
      %dma_start3A_387 = arith.constant 1 : i32
      %dma_start3A_388 = arith.constant 1 : i32
      %dma_start3A_389 = arith.constant 0 : i32
      %dma_start3A_390 = arith.constant 0 : i32
      %dma_start3A_391 = tpu.memref_slice %arg7[%dma_start3A_388, %dma_start3A_389, %dma_start3A_390] : memref<2x80x128xf32, #tpu.memory_space<vmem>> -> memref<1x80x128xf32, #tpu.memory_space<vmem>>
      %dma_start3A_392 = tpu.memref_squeeze %dma_start3A_391 : memref<1x80x128xf32, #tpu.memory_space<vmem>> -> memref<80x128xf32, #tpu.memory_space<vmem>>
      %dma_start3A_393 = arith.constant 0 : i32
      %dma_start3A_394 = tpu.memref_slice %arg5[%dma_start3A_386, %dma_start3A_387, %dma_start3A_393] : memref<2x2x80xi32, #tpu.memory_space<vmem>> -> memref<1x1x80xi32, #tpu.memory_space<vmem>>
      %dma_start3A_395 = tpu.memref_squeeze %dma_start3A_394 : memref<1x1x80xi32, #tpu.memory_space<vmem>> -> memref<80xi32, #tpu.memory_space<vmem>>
      %dma_start3A_396 = arith.constant 0 : i32
      %dma_start3A_397 = arith.constant 0 : i32
      %dma_start3A_398 = tpu.memref_slice %arg9[%dma_start3A_396, %dma_start3A_397] : memref<10000x128xf32, #tpu.memory_space<vmem_shared>> -> memref<10000x128xf32, #tpu.memory_space<vmem_shared>>
      tpu.enqueue_indirect_dma source(%dma_start3A_398 : memref<10000x128xf32, #tpu.memory_space<vmem_shared>>) target(%dma_start3A_392 : memref<80x128xf32, #tpu.memory_space<vmem>>) offsets(%dma_start3A_395 : memref<80xi32, #tpu.memory_space<vmem>>) semaphore(%arg13 : memref<!tpu.dma_semaphore, #tpu.memory_space<semaphore_mem>>)
      %dma_wait3A_399 = arith.constant 0 : i32
      %dma_wait3A_400 = arith.constant 0 : i32
      %dma_wait3A_401 = arith.constant 0 : i32
      %dma_wait3A_402 = arith.constant 0 : i32
      %dma_wait3A_403 = arith.constant 0 : i32
      %dma_wait3A_404 = tpu.memref_slice %arg6[%dma_wait3A_401, %dma_wait3A_402, %dma_wait3A_403] : memref<2x80x128xf32, #tpu.memory_space<vmem>> -> memref<1x80x128xf32, #tpu.memory_space<vmem>>
      %dma_wait3A_405 = tpu.memref_squeeze %dma_wait3A_404 : memref<1x80x128xf32, #tpu.memory_space<vmem>> -> memref<80x128xf32, #tpu.memory_space<vmem>>
      %dma_wait3A_406 = arith.constant 0 : i32
      %dma_wait3A_407 = tpu.memref_slice %arg5[%dma_wait3A_399, %dma_wait3A_400, %dma_wait3A_406] : memref<2x2x80xi32, #tpu.memory_space<vmem>> -> memref<1x1x80xi32, #tpu.memory_space<vmem>>
      %dma_wait3A_408 = tpu.memref_squeeze %dma_wait3A_407 : memref<1x1x80xi32, #tpu.memory_space<vmem>> -> memref<80xi32, #tpu.memory_space<vmem>>
      %dma_wait3A_409 = arith.constant 0 : i32
      %dma_wait3A_410 = arith.constant 0 : i32
      %dma_wait3A_411 = tpu.memref_slice %arg9[%dma_wait3A_409, %dma_wait3A_410] : memref<10000x128xf32, #tpu.memory_space<vmem_shared>> -> memref<10000x128xf32, #tpu.memory_space<vmem_shared>>
      tpu.wait_indirect_dma semaphore(%arg10 : memref<!tpu.dma_semaphore, #tpu.memory_space<semaphore_mem>>) src(%dma_wait3A_411 : memref<10000x128xf32, #tpu.memory_space<vmem_shared>>) dst(%dma_wait3A_405 : memref<80x128xf32, #tpu.memory_space<vmem>>)
      %dma_wait3A_412 = arith.constant 0 : i32
      %dma_wait3A_413 = arith.constant 1 : i32
      %dma_wait3A_414 = arith.constant 0 : i32
      %dma_wait3A_415 = arith.constant 0 : i32
      %dma_wait3A_416 = arith.constant 0 : i32
      %dma_wait3A_417 = tpu.memref_slice %arg7[%dma_wait3A_414, %dma_wait3A_415, %dma_wait3A_416] : memref<2x80x128xf32, #tpu.memory_space<vmem>> -> memref<1x80x128xf32, #tpu.memory_space<vmem>>
      %dma_wait3A_418 = tpu.memref_squeeze %dma_wait3A_417 : memref<1x80x128xf32, #tpu.memory_space<vmem>> -> memref<80x128xf32, #tpu.memory_space<vmem>>
      %dma_wait3A_419 = arith.constant 0 : i32
      %dma_wait3A_420 = tpu.memref_slice %arg5[%dma_wait3A_412, %dma_wait3A_413, %dma_wait3A_419] : memref<2x2x80xi32, #tpu.memory_space<vmem>> -> memref<1x1x80xi32, #tpu.memory_space<vmem>>
      %dma_wait3A_421 = tpu.memref_squeeze %dma_wait3A_420 : memref<1x1x80xi32, #tpu.memory_space<vmem>> -> memref<80xi32, #tpu.memory_space<vmem>>
      %dma_wait3A_422 = arith.constant 0 : i32
      %dma_wait3A_423 = arith.constant 0 : i32
      %dma_wait3A_424 = tpu.memref_slice %arg9[%dma_wait3A_422, %dma_wait3A_423] : memref<10000x128xf32, #tpu.memory_space<vmem_shared>> -> memref<10000x128xf32, #tpu.memory_space<vmem_shared>>
      tpu.wait_indirect_dma semaphore(%arg12 : memref<!tpu.dma_semaphore, #tpu.memory_space<semaphore_mem>>) src(%dma_wait3A_424 : memref<10000x128xf32, #tpu.memory_space<vmem_shared>>) dst(%dma_wait3A_418 : memref<80x128xf32, #tpu.memory_space<vmem>>)
      %add3A_425 = arith.constant 2 : i32
      %add3A_426 = arith.addi %add3A_354, %add3A_425 : i32
      %lt3A_427 = arith.constant 125 : i32
      %lt3A_428 = arith.cmpi slt, %add3A_426, %lt3A_427 : i32
      %convert_element_type3A_429 = arith.extui %lt3A_428 : i1 to i32
      %cond3A_430 = arith.constant 0 : i32
      %cond3A_431 = arith.cmpi ne, %convert_element_type3A_429, %cond3A_430 : i32
      scf.if %cond3A_431 {
        %add3A_547 = arith.constant 2 : i32
        %add3A_548 = arith.addi %add3A_354, %add3A_547 : i32
        %dma_start3A_549 = arith.constant 0 : i32
        %dma_start3A_550 = arith.constant 0 : i32
        %dma_start3A_551 = arith.constant 0 : i32
        %dma_start3A_552 = tpu.memref_slice %arg5[%dma_start3A_549, %dma_start3A_550, %dma_start3A_551] : memref<2x2x80xi32, #tpu.memory_space<vmem>> -> memref<1x2x80xi32, #tpu.memory_space<vmem>>
        %dma_start3A_553 = tpu.memref_squeeze %dma_start3A_552 : memref<1x2x80xi32, #tpu.memory_space<vmem>> -> memref<2x80xi32, #tpu.memory_space<vmem>>
        %dma_start3A_554 = arith.constant 0 : i32
        %dma_start3A_555 = arith.constant 0 : i32
        %dma_start3A_556 = tpu.memref_slice %arg3[%add3A, %add3A_548, %dma_start3A_554, %dma_start3A_555] : memref<32x125x2x80xi32, #tpu.memory_space<hbm>> -> memref<1x1x2x80xi32, #tpu.memory_space<hbm>>
        %dma_start3A_557 = tpu.memref_squeeze %dma_start3A_556 : memref<1x1x2x80xi32, #tpu.memory_space<hbm>> -> memref<2x80xi32, #tpu.memory_space<hbm>>
        %dma_start3A_558 = arith.constant 0 : i32
        %dma_start3A_559 = arith.constant 0 : i32
        %dma_start3A_560 = tpu.memref_slice %arg5[%dma_start3A_549, %dma_start3A_558, %dma_start3A_559] : memref<2x2x80xi32, #tpu.memory_space<vmem>> -> memref<1x2x80xi32, #tpu.memory_space<vmem>>
        %dma_start3A_561 = tpu.memref_squeeze %dma_start3A_560 : memref<1x2x80xi32, #tpu.memory_space<vmem>> -> memref<2x80xi32, #tpu.memory_space<vmem>>
        %dma_start3A_562 = arith.constant 0 : i32
        %dma_start3A_563 = arith.constant 0 : i32
        %dma_start3A_564 = tpu.memref_slice %arg3[%add3A, %add3A_548, %dma_start3A_562, %dma_start3A_563] : memref<32x125x2x80xi32, #tpu.memory_space<hbm>> -> memref<1x1x2x80xi32, #tpu.memory_space<hbm>>
        %dma_start3A_565 = tpu.memref_squeeze %dma_start3A_564 : memref<1x1x2x80xi32, #tpu.memory_space<hbm>> -> memref<2x80xi32, #tpu.memory_space<hbm>>
        tpu.enqueue_dma source(%dma_start3A_565 : memref<2x80xi32, #tpu.memory_space<hbm>>) target(%dma_start3A_561 : memref<2x80xi32, #tpu.memory_space<vmem>>) target_semaphore(%arg15 : memref<!tpu.dma_semaphore, #tpu.memory_space<semaphore_mem>>)
      } else {
      }
      %dma_wait3A_432 = arith.constant 0 : i32
      %dma_wait3A_433 = arith.constant 0 : i32
      %dma_wait3A_434 = tpu.memref_slice %arg4[%dma_wait3A_432, %dma_wait3A_433] : memref<160000x128xf32, #tpu.memory_space<hbm>> -> memref<40x128xf32, #tpu.memory_space<hbm>>
      %dma_wait3A_435 = arith.constant 0 : i32
      %dma_wait3A_436 = arith.constant 0 : i32
      %dma_wait3A_437 = tpu.memref_slice %arg4[%dma_wait3A_435, %dma_wait3A_436] : memref<160000x128xf32, #tpu.memory_space<hbm>> -> memref<40x128xf32, #tpu.memory_space<hbm>>
      tpu.wait_dma2 semaphore(%arg14 : memref<!tpu.dma_semaphore, #tpu.memory_space<semaphore_mem>>) src(%arg8 : memref<40x128xf32, #tpu.memory_space<vmem>>) dst(%dma_wait3A_437 : memref<40x128xf32, #tpu.memory_space<hbm>>)
      %scan3A_438 = arith.constant 0 : i32
      %scan3A_439 = arith.constant 40 : i32
      %scan3A_440 = arith.addi %scan3A_438, %scan3A_439 : i32
      %scan3A_441 = arith.constant 1 : i32
      scf.for %scan3A_547 = %scan3A_438 to %scan3A_440 step %scan3A_441  : i32 {
        %mul3A_548 = arith.constant 1 : i32
        %mul3A_549 = arith.muli %scan3A_547, %mul3A_548 : i32
        %add3A_550 = arith.constant 0 : i32
        %add3A_551 = arith.addi %add3A_550, %mul3A_549 : i32
        %add3A_552 = arith.constant 0 : i32
        %add3A_553 = arith.addi %add3A_552, %add3A_551 : i32
        %get3A = arith.constant 0 : i32
        %get3A_554 = arith.index_cast %get3A : i32 to index
        %get3A_555 = arith.index_cast %add3A_553 : i32 to index
        %get3A_556 = arith.constant 0 : index
        %get3A_557 = tpu.vector_load %arg6[%get3A_554, %get3A_555, %get3A_556] {strides = array<i32>} : memref<2x80x128xf32, #tpu.memory_space<vmem>>, vector<1x1x16xf32>,
        %get3A_558 = vector.shape_cast %get3A_557 : vector<1x1x16xf32> to vector<16xf32>
        %get3A_559 = arith.constant 0 : i32
        %get3A_560 = arith.index_cast %get3A_559 : i32 to index
        %get3A_561 = arith.index_cast %add3A_553 : i32 to index
        %get3A_562 = arith.constant 64 : index
        %get3A_563 = tpu.vector_load %arg7[%get3A_560, %get3A_561, %get3A_562] {strides = array<i32>} : memref<2x80x128xf32, #tpu.memory_space<vmem>>, vector<1x1x16xf32>,
        %get3A_564 = vector.shape_cast %get3A_563 : vector<1x1x16xf32> to vector<16xf32>
        %add3A_565 = arith.addf %get3A_558, %get3A_564 : vector<16xf32>
        %swap3A = arith.index_cast %add3A_551 : i32 to index
        %swap3A_566 = arith.constant 0 : index
        %swap3A_567 = tpu.vector_load %arg8[%swap3A, %swap3A_566] {strides = array<i32>} : memref<40x128xf32, #tpu.memory_space<vmem>>, vector<1x16xf32>,
        %swap3A_568 = vector.shape_cast %swap3A_567 : vector<1x16xf32> to vector<16xf32>
        %swap3A_569 = vector.shape_cast %add3A_565 : vector<16xf32> to vector<1x16xf32>
        tpu.vector_store %arg8[%swap3A, %swap3A_566], %swap3A_569 {strides = array<i32>} : memref<40x128xf32, #tpu.memory_space<vmem>>, vector<1x16xf32>,
        %add3A_570 = arith.constant 0 : i32
        %add3A_571 = arith.addi %add3A_570, %add3A_551 : i32
        %get3A_572 = arith.constant 0 : i32
        %get3A_573 = arith.index_cast %get3A_572 : i32 to index
        %get3A_574 = arith.index_cast %add3A_571 : i32 to index
        %get3A_575 = arith.constant 16 : index
        %get3A_576 = tpu.vector_load %arg6[%get3A_573, %get3A_574, %get3A_575] {strides = array<i32>} : memref<2x80x128xf32, #tpu.memory_space<vmem>>, vector<1x1x16xf32>,
        %get3A_577 = vector.shape_cast %get3A_576 : vector<1x1x16xf32> to vector<16xf32>
        %get3A_578 = arith.constant 0 : i32
        %get3A_579 = arith.index_cast %get3A_578 : i32 to index
        %get3A_580 = arith.index_cast %add3A_571 : i32 to index
        %get3A_581 = arith.constant 80 : index
        %get3A_582 = tpu.vector_load %arg7[%get3A_579, %get3A_580, %get3A_581] {strides = array<i32>} : memref<2x80x128xf32, #tpu.memory_space<vmem>>, vector<1x1x16xf32>,
        %get3A_583 = vector.shape_cast %get3A_582 : vector<1x1x16xf32> to vector<16xf32>
        %add3A_584 = arith.addf %get3A_577, %get3A_583 : vector<16xf32>
        %swap3A_585 = arith.index_cast %add3A_551 : i32 to index
        %swap3A_586 = arith.constant 16 : index
        %swap3A_587 = tpu.vector_load %arg8[%swap3A_585, %swap3A_586] {strides = array<i32>} : memref<40x128xf32, #tpu.memory_space<vmem>>, vector<1x16xf32>,
        %swap3A_588 = vector.shape_cast %swap3A_587 : vector<1x16xf32> to vector<16xf32>
        %swap3A_589 = vector.shape_cast %add3A_584 : vector<16xf32> to vector<1x16xf32>
        tpu.vector_store %arg8[%swap3A_585, %swap3A_586], %swap3A_589 {strides = array<i32>} : memref<40x128xf32, #tpu.memory_space<vmem>>, vector<1x16xf32>,
        %add3A_590 = arith.constant 0 : i32
        %add3A_591 = arith.addi %add3A_590, %add3A_551 : i32
        %get3A_592 = arith.constant 0 : i32
        %get3A_593 = arith.index_cast %get3A_592 : i32 to index
        %get3A_594 = arith.index_cast %add3A_591 : i32 to index
        %get3A_595 = arith.constant 32 : index
        %get3A_596 = tpu.vector_load %arg6[%get3A_593, %get3A_594, %get3A_595] {strides = array<i32>} : memref<2x80x128xf32, #tpu.memory_space<vmem>>, vector<1x1x16xf32>,
        %get3A_597 = vector.shape_cast %get3A_596 : vector<1x1x16xf32> to vector<16xf32>
        %get3A_598 = arith.constant 0 : i32
        %get3A_599 = arith.index_cast %get3A_598 : i32 to index
        %get3A_600 = arith.index_cast %add3A_591 : i32 to index
        %get3A_601 = arith.constant 96 : index
        %get3A_602 = tpu.vector_load %arg7[%get3A_599, %get3A_600, %get3A_601] {strides = array<i32>} : memref<2x80x128xf32, #tpu.memory_space<vmem>>, vector<1x1x16xf32>,
        %get3A_603 = vector.shape_cast %get3A_602 : vector<1x1x16xf32> to vector<16xf32>
        %add3A_604 = arith.addf %get3A_597, %get3A_603 : vector<16xf32>
        %swap3A_605 = arith.index_cast %add3A_551 : i32 to index
        %swap3A_606 = arith.constant 32 : index
        %swap3A_607 = tpu.vector_load %arg8[%swap3A_605, %swap3A_606] {strides = array<i32>} : memref<40x128xf32, #tpu.memory_space<vmem>>, vector<1x16xf32>,
        %swap3A_608 = vector.shape_cast %swap3A_607 : vector<1x16xf32> to vector<16xf32>
        %swap3A_609 = vector.shape_cast %add3A_604 : vector<16xf32> to vector<1x16xf32>
        tpu.vector_store %arg8[%swap3A_605, %swap3A_606], %swap3A_609 {strides = array<i32>} : memref<40x128xf32, #tpu.memory_space<vmem>>, vector<1x16xf32>,
        %add3A_610 = arith.constant 0 : i32
        %add3A_611 = arith.addi %add3A_610, %add3A_551 : i32
        %get3A_612 = arith.constant 0 : i32
        %get3A_613 = arith.index_cast %get3A_612 : i32 to index
        %get3A_614 = arith.index_cast %add3A_611 : i32 to index
        %get3A_615 = arith.constant 48 : index
        %get3A_616 = tpu.vector_load %arg6[%get3A_613, %get3A_614, %get3A_615] {strides = array<i32>} : memref<2x80x128xf32, #tpu.memory_space<vmem>>, vector<1x1x16xf32>,
        %get3A_617 = vector.shape_cast %get3A_616 : vector<1x1x16xf32> to vector<16xf32>
        %get3A_618 = arith.constant 0 : i32
        %get3A_619 = arith.index_cast %get3A_618 : i32 to index
        %get3A_620 = arith.index_cast %add3A_611 : i32 to index
        %get3A_621 = arith.constant 112 : index
        %get3A_622 = tpu.vector_load %arg7[%get3A_619, %get3A_620, %get3A_621] {strides = array<i32>} : memref<2x80x128xf32, #tpu.memory_space<vmem>>, vector<1x1x16xf32>,
        %get3A_623 = vector.shape_cast %get3A_622 : vector<1x1x16xf32> to vector<16xf32>
        %add3A_624 = arith.addf %get3A_617, %get3A_623 : vector<16xf32>
        %swap3A_625 = arith.index_cast %add3A_551 : i32 to index
        %swap3A_626 = arith.constant 48 : index
        %swap3A_627 = tpu.vector_load %arg8[%swap3A_625, %swap3A_626] {strides = array<i32>} : memref<40x128xf32, #tpu.memory_space<vmem>>, vector<1x16xf32>,
        %swap3A_628 = vector.shape_cast %swap3A_627 : vector<1x16xf32> to vector<16xf32>
        %swap3A_629 = vector.shape_cast %add3A_624 : vector<16xf32> to vector<1x16xf32>
        tpu.vector_store %arg8[%swap3A_625, %swap3A_626], %swap3A_629 {strides = array<i32>} : memref<40x128xf32, #tpu.memory_space<vmem>>, vector<1x16xf32>,
        %add3A_630 = arith.constant 40 : i32
        %add3A_631 = arith.addi %add3A_630, %add3A_551 : i32
        %get3A_632 = arith.constant 0 : i32
        %get3A_633 = arith.index_cast %get3A_632 : i32 to index
        %get3A_634 = arith.index_cast %add3A_631 : i32 to index
        %get3A_635 = arith.constant 0 : index
        %get3A_636 = tpu.vector_load %arg6[%get3A_633, %get3A_634, %get3A_635] {strides = array<i32>} : memref<2x80x128xf32, #tpu.memory_space<vmem>>, vector<1x1x16xf32>,
        %get3A_637 = vector.shape_cast %get3A_636 : vector<1x1x16xf32> to vector<16xf32>
        %get3A_638 = arith.constant 0 : i32
        %get3A_639 = arith.index_cast %get3A_638 : i32 to index
        %get3A_640 = arith.index_cast %add3A_631 : i32 to index
        %get3A_641 = arith.constant 64 : index
        %get3A_642 = tpu.vector_load %arg7[%get3A_639, %get3A_640, %get3A_641] {strides = array<i32>} : memref<2x80x128xf32, #tpu.memory_space<vmem>>, vector<1x1x16xf32>,
        %get3A_643 = vector.shape_cast %get3A_642 : vector<1x1x16xf32> to vector<16xf32>
        %add3A_644 = arith.addf %get3A_637, %get3A_643 : vector<16xf32>
        %swap3A_645 = arith.index_cast %add3A_551 : i32 to index
        %swap3A_646 = arith.constant 64 : index
        %swap3A_647 = tpu.vector_load %arg8[%swap3A_645, %swap3A_646] {strides = array<i32>} : memref<40x128xf32, #tpu.memory_space<vmem>>, vector<1x16xf32>,
        %swap3A_648 = vector.shape_cast %swap3A_647 : vector<1x16xf32> to vector<16xf32>
        %swap3A_649 = vector.shape_cast %add3A_644 : vector<16xf32> to vector<1x16xf32>
        tpu.vector_store %arg8[%swap3A_645, %swap3A_646], %swap3A_649 {strides = array<i32>} : memref<40x128xf32, #tpu.memory_space<vmem>>, vector<1x16xf32>,
        %add3A_650 = arith.constant 40 : i32
        %add3A_651 = arith.addi %add3A_650, %add3A_551 : i32
        %get3A_652 = arith.constant 0 : i32
        %get3A_653 = arith.index_cast %get3A_652 : i32 to index
        %get3A_654 = arith.index_cast %add3A_651 : i32 to index
        %get3A_655 = arith.constant 16 : index
        %get3A_656 = tpu.vector_load %arg6[%get3A_653, %get3A_654, %get3A_655] {strides = array<i32>} : memref<2x80x128xf32, #tpu.memory_space<vmem>>, vector<1x1x16xf32>,
        %get3A_657 = vector.shape_cast %get3A_656 : vector<1x1x16xf32> to vector<16xf32>
        %get3A_658 = arith.constant 0 : i32
        %get3A_659 = arith.index_cast %get3A_658 : i32 to index
        %get3A_660 = arith.index_cast %add3A_651 : i32 to index
        %get3A_661 = arith.constant 80 : index
        %get3A_662 = tpu.vector_load %arg7[%get3A_659, %get3A_660, %get3A_661] {strides = array<i32>} : memref<2x80x128xf32, #tpu.memory_space<vmem>>, vector<1x1x16xf32>,
        %get3A_663 = vector.shape_cast %get3A_662 : vector<1x1x16xf32> to vector<16xf32>
        %add3A_664 = arith.addf %get3A_657, %get3A_663 : vector<16xf32>
        %swap3A_665 = arith.index_cast %add3A_551 : i32 to index
        %swap3A_666 = arith.constant 80 : index
        %swap3A_667 = tpu.vector_load %arg8[%swap3A_665, %swap3A_666] {strides = array<i32>} : memref<40x128xf32, #tpu.memory_space<vmem>>, vector<1x16xf32>,
        %swap3A_668 = vector.shape_cast %swap3A_667 : vector<1x16xf32> to vector<16xf32>
        %swap3A_669 = vector.shape_cast %add3A_664 : vector<16xf32> to vector<1x16xf32>
        tpu.vector_store %arg8[%swap3A_665, %swap3A_666], %swap3A_669 {strides = array<i32>} : memref<40x128xf32, #tpu.memory_space<vmem>>, vector<1x16xf32>,
        %add3A_670 = arith.constant 40 : i32
        %add3A_671 = arith.addi %add3A_670, %add3A_551 : i32
        %get3A_672 = arith.constant 0 : i32
        %get3A_673 = arith.index_cast %get3A_672 : i32 to index
        %get3A_674 = arith.index_cast %add3A_671 : i32 to index
        %get3A_675 = arith.constant 32 : index
        %get3A_676 = tpu.vector_load %arg6[%get3A_673, %get3A_674, %get3A_675] {strides = array<i32>} : memref<2x80x128xf32, #tpu.memory_space<vmem>>, vector<1x1x16xf32>,
        %get3A_677 = vector.shape_cast %get3A_676 : vector<1x1x16xf32> to vector<16xf32>
        %get3A_678 = arith.constant 0 : i32
        %get3A_679 = arith.index_cast %get3A_678 : i32 to index
        %get3A_680 = arith.index_cast %add3A_671 : i32 to index
        %get3A_681 = arith.constant 96 : index
        %get3A_682 = tpu.vector_load %arg7[%get3A_679, %get3A_680, %get3A_681] {strides = array<i32>} : memref<2x80x128xf32, #tpu.memory_space<vmem>>, vector<1x1x16xf32>,
        %get3A_683 = vector.shape_cast %get3A_682 : vector<1x1x16xf32> to vector<16xf32>
        %add3A_684 = arith.addf %get3A_677, %get3A_683 : vector<16xf32>
        %swap3A_685 = arith.index_cast %add3A_551 : i32 to index
        %swap3A_686 = arith.constant 96 : index
        %swap3A_687 = tpu.vector_load %arg8[%swap3A_685, %swap3A_686] {strides = array<i32>} : memref<40x128xf32, #tpu.memory_space<vmem>>, vector<1x16xf32>,
        %swap3A_688 = vector.shape_cast %swap3A_687 : vector<1x16xf32> to vector<16xf32>
        %swap3A_689 = vector.shape_cast %add3A_684 : vector<16xf32> to vector<1x16xf32>
        tpu.vector_store %arg8[%swap3A_685, %swap3A_686], %swap3A_689 {strides = array<i32>} : memref<40x128xf32, #tpu.memory_space<vmem>>, vector<1x16xf32>,
        %add3A_690 = arith.constant 40 : i32
        %add3A_691 = arith.addi %add3A_690, %add3A_551 : i32
        %get3A_692 = arith.constant 0 : i32
        %get3A_693 = arith.index_cast %get3A_692 : i32 to index
        %get3A_694 = arith.index_cast %add3A_691 : i32 to index
        %get3A_695 = arith.constant 48 : index
        %get3A_696 = tpu.vector_load %arg6[%get3A_693, %get3A_694, %get3A_695] {strides = array<i32>} : memref<2x80x128xf32, #tpu.memory_space<vmem>>, vector<1x1x16xf32>,
        %get3A_697 = vector.shape_cast %get3A_696 : vector<1x1x16xf32> to vector<16xf32>
        %get3A_698 = arith.constant 0 : i32
        %get3A_699 = arith.index_cast %get3A_698 : i32 to index
        %get3A_700 = arith.index_cast %add3A_691 : i32 to index
        %get3A_701 = arith.constant 112 : index
        %get3A_702 = tpu.vector_load %arg7[%get3A_699, %get3A_700, %get3A_701] {strides = array<i32>} : memref<2x80x128xf32, #tpu.memory_space<vmem>>, vector<1x1x16xf32>,
        %get3A_703 = vector.shape_cast %get3A_702 : vector<1x1x16xf32> to vector<16xf32>
        %add3A_704 = arith.addf %get3A_697, %get3A_703 : vector<16xf32>
        %swap3A_705 = arith.index_cast %add3A_551 : i32 to index
        %swap3A_706 = arith.constant 112 : index
        %swap3A_707 = tpu.vector_load %arg8[%swap3A_705, %swap3A_706] {strides = array<i32>} : memref<40x128xf32, #tpu.memory_space<vmem>>, vector<1x16xf32>,
        %swap3A_708 = vector.shape_cast %swap3A_707 : vector<1x16xf32> to vector<16xf32>
        %swap3A_709 = vector.shape_cast %add3A_704 : vector<16xf32> to vector<1x16xf32>
        tpu.vector_store %arg8[%swap3A_705, %swap3A_706], %swap3A_709 {strides = array<i32>} : memref<40x128xf32, #tpu.memory_space<vmem>>, vector<1x16xf32>,
      }
      %scan3A_442 = arith.constant 40 : i32
      %add3A_443 = arith.addi %mul3A_2, %add3A_354 : i32
      %mul3A_444 = arith.constant 40 : i32
      %mul3A_445 = arith.muli %add3A_443, %mul3A_444 : i32
      %dma_start3A_446 = arith.constant 0 : i32
      %dma_start3A_447 = tpu.memref_slice %arg4[%mul3A_445, %dma_start3A_446] : memref<160000x128xf32, #tpu.memory_space<hbm>> -> memref<40x128xf32, #tpu.memory_space<hbm>>
      %dma_start3A_448 = arith.constant 0 : i32
      %dma_start3A_449 = tpu.memref_slice %arg4[%mul3A_445, %dma_start3A_448] : memref<160000x128xf32, #tpu.memory_space<hbm>> -> memref<40x128xf32, #tpu.memory_space<hbm>>
      tpu.enqueue_dma source(%arg8 : memref<40x128xf32, #tpu.memory_space<vmem>>) target(%dma_start3A_449 : memref<40x128xf32, #tpu.memory_space<hbm>>) target_semaphore(%arg14 : memref<!tpu.dma_semaphore, #tpu.memory_space<semaphore_mem>>)
      %add3A_450 = arith.constant 1 : i32
      %add3A_451 = arith.addi %mul3A_352, %add3A_450 : i32
      %dma_wait3A_452 = arith.constant 0 : i32
      %dma_wait3A_453 = arith.constant 0 : i32
      %dma_wait3A_454 = arith.constant 0 : i32
      %dma_wait3A_455 = arith.constant 0 : i32
      %dma_wait3A_456 = tpu.memref_slice %arg5[%dma_wait3A_453, %dma_wait3A_454, %dma_wait3A_455] : memref<2x2x80xi32, #tpu.memory_space<vmem>> -> memref<1x2x80xi32, #tpu.memory_space<vmem>>
      %dma_wait3A_457 = tpu.memref_squeeze %dma_wait3A_456 : memref<1x2x80xi32, #tpu.memory_space<vmem>> -> memref<2x80xi32, #tpu.memory_space<vmem>>
      %dma_wait3A_458 = arith.constant 0 : i32
      %dma_wait3A_459 = arith.constant 0 : i32
      %dma_wait3A_460 = tpu.memref_slice %arg3[%add3A, %dma_wait3A_452, %dma_wait3A_458, %dma_wait3A_459] : memref<32x125x2x80xi32, #tpu.memory_space<hbm>> -> memref<1x1x2x80xi32, #tpu.memory_space<hbm>>
      %dma_wait3A_461 = tpu.memref_squeeze %dma_wait3A_460 : memref<1x1x2x80xi32, #tpu.memory_space<hbm>> -> memref<2x80xi32, #tpu.memory_space<hbm>>
      %dma_wait3A_462 = arith.constant 0 : i32
      %dma_wait3A_463 = arith.constant 0 : i32
      %dma_wait3A_464 = tpu.memref_slice %arg5[%dma_wait3A_453, %dma_wait3A_462, %dma_wait3A_463] : memref<2x2x80xi32, #tpu.memory_space<vmem>> -> memref<1x2x80xi32, #tpu.memory_space<vmem>>
      %dma_wait3A_465 = tpu.memref_squeeze %dma_wait3A_464 : memref<1x2x80xi32, #tpu.memory_space<vmem>> -> memref<2x80xi32, #tpu.memory_space<vmem>>
      %dma_wait3A_466 = arith.constant 0 : i32
      %dma_wait3A_467 = arith.constant 0 : i32
      %dma_wait3A_468 = tpu.memref_slice %arg3[%add3A, %dma_wait3A_452, %dma_wait3A_466, %dma_wait3A_467] : memref<32x125x2x80xi32, #tpu.memory_space<hbm>> -> memref<1x1x2x80xi32, #tpu.memory_space<hbm>>
      %dma_wait3A_469 = tpu.memref_squeeze %dma_wait3A_468 : memref<1x1x2x80xi32, #tpu.memory_space<hbm>> -> memref<2x80xi32, #tpu.memory_space<hbm>>
      tpu.wait_dma2 semaphore(%arg15 : memref<!tpu.dma_semaphore, #tpu.memory_space<semaphore_mem>>) src(%dma_wait3A_469 : memref<2x80xi32, #tpu.memory_space<hbm>>) dst(%dma_wait3A_465 : memref<2x80xi32, #tpu.memory_space<vmem>>)
      %dma_start3A_470 = arith.constant 0 : i32
      %dma_start3A_471 = arith.constant 0 : i32
      %dma_start3A_472 = arith.constant 0 : i32
      %dma_start3A_473 = arith.constant 0 : i32
      %dma_start3A_474 = arith.constant 0 : i32
      %dma_start3A_475 = tpu.memref_slice %arg6[%dma_start3A_472, %dma_start3A_473, %dma_start3A_474] : memref<2x80x128xf32, #tpu.memory_space<vmem>> -> memref<1x80x128xf32, #tpu.memory_space<vmem>>
      %dma_start3A_476 = tpu.memref_squeeze %dma_start3A_475 : memref<1x80x128xf32, #tpu.memory_space<vmem>> -> memref<80x128xf32, #tpu.memory_space<vmem>>
      %dma_start3A_477 = arith.constant 0 : i32
      %dma_start3A_478 = tpu.memref_slice %arg5[%dma_start3A_470, %dma_start3A_471, %dma_start3A_477] : memref<2x2x80xi32, #tpu.memory_space<vmem>> -> memref<1x1x80xi32, #tpu.memory_space<vmem>>
      %dma_start3A_479 = tpu.memref_squeeze %dma_start3A_478 : memref<1x1x80xi32, #tpu.memory_space<vmem>> -> memref<80xi32, #tpu.memory_space<vmem>>
      %dma_start3A_480 = arith.constant 0 : i32
      %dma_start3A_481 = arith.constant 0 : i32
      %dma_start3A_482 = tpu.memref_slice %arg9[%dma_start3A_480, %dma_start3A_481] : memref<10000x128xf32, #tpu.memory_space<vmem_shared>> -> memref<10000x128xf32, #tpu.memory_space<vmem_shared>>
      tpu.enqueue_indirect_dma source(%dma_start3A_482 : memref<10000x128xf32, #tpu.memory_space<vmem_shared>>) target(%dma_start3A_476 : memref<80x128xf32, #tpu.memory_space<vmem>>) offsets(%dma_start3A_479 : memref<80xi32, #tpu.memory_space<vmem>>) semaphore(%arg10 : memref<!tpu.dma_semaphore, #tpu.memory_space<semaphore_mem>>)
      %dma_start3A_483 = arith.constant 0 : i32
      %dma_start3A_484 = arith.constant 1 : i32
      %dma_start3A_485 = arith.constant 0 : i32
      %dma_start3A_486 = arith.constant 0 : i32
      %dma_start3A_487 = arith.constant 0 : i32
      %dma_start3A_488 = tpu.memref_slice %arg7[%dma_start3A_485, %dma_start3A_486, %dma_start3A_487] : memref<2x80x128xf32, #tpu.memory_space<vmem>> -> memref<1x80x128xf32, #tpu.memory_space<vmem>>
      %dma_start3A_489 = tpu.memref_squeeze %dma_start3A_488 : memref<1x80x128xf32, #tpu.memory_space<vmem>> -> memref<80x128xf32, #tpu.memory_space<vmem>>
      %dma_start3A_490 = arith.constant 0 : i32
      %dma_start3A_491 = tpu.memref_slice %arg5[%dma_start3A_483, %dma_start3A_484, %dma_start3A_490] : memref<2x2x80xi32, #tpu.memory_space<vmem>> -> memref<1x1x80xi32, #tpu.memory_space<vmem>>
      %dma_start3A_492 = tpu.memref_squeeze %dma_start3A_491 : memref<1x1x80xi32, #tpu.memory_space<vmem>> -> memref<80xi32, #tpu.memory_space<vmem>>
      %dma_start3A_493 = arith.constant 0 : i32
      %dma_start3A_494 = arith.constant 0 : i32
      %dma_start3A_495 = tpu.memref_slice %arg9[%dma_start3A_493, %dma_start3A_494] : memref<10000x128xf32, #tpu.memory_space<vmem_shared>> -> memref<10000x128xf32, #tpu.memory_space<vmem_shared>>
      tpu.enqueue_indirect_dma source(%dma_start3A_495 : memref<10000x128xf32, #tpu.memory_space<vmem_shared>>) target(%dma_start3A_489 : memref<80x128xf32, #tpu.memory_space<vmem>>) offsets(%dma_start3A_492 : memref<80xi32, #tpu.memory_space<vmem>>) semaphore(%arg12 : memref<!tpu.dma_semaphore, #tpu.memory_space<semaphore_mem>>)
      %dma_wait3A_496 = arith.constant 1 : i32
      %dma_wait3A_497 = arith.constant 0 : i32
      %dma_wait3A_498 = arith.constant 1 : i32
      %dma_wait3A_499 = arith.constant 0 : i32
      %dma_wait3A_500 = arith.constant 0 : i32
      %dma_wait3A_501 = tpu.memref_slice %arg6[%dma_wait3A_498, %dma_wait3A_499, %dma_wait3A_500] : memref<2x80x128xf32, #tpu.memory_space<vmem>> -> memref<1x80x128xf32, #tpu.memory_space<vmem>>
      %dma_wait3A_502 = tpu.memref_squeeze %dma_wait3A_501 : memref<1x80x128xf32, #tpu.memory_space<vmem>> -> memref<80x128xf32, #tpu.memory_space<vmem>>
      %dma_wait3A_503 = arith.constant 0 : i32
      %dma_wait3A_504 = tpu.memref_slice %arg5[%dma_wait3A_496, %dma_wait3A_497, %dma_wait3A_503] : memref<2x2x80xi32, #tpu.memory_space<vmem>> -> memref<1x1x80xi32, #tpu.memory_space<vmem>>
      %dma_wait3A_505 = tpu.memref_squeeze %dma_wait3A_504 : memref<1x1x80xi32, #tpu.memory_space<vmem>> -> memref<80xi32, #tpu.memory_space<vmem>>
      %dma_wait3A_506 = arith.constant 0 : i32
      %dma_wait3A_507 = arith.constant 0 : i32
      %dma_wait3A_508 = tpu.memref_slice %arg9[%dma_wait3A_506, %dma_wait3A_507] : memref<10000x128xf32, #tpu.memory_space<vmem_shared>> -> memref<10000x128xf32, #tpu.memory_space<vmem_shared>>
      tpu.wait_indirect_dma semaphore(%arg11 : memref<!tpu.dma_semaphore, #tpu.memory_space<semaphore_mem>>) src(%dma_wait3A_508 : memref<10000x128xf32, #tpu.memory_space<vmem_shared>>) dst(%dma_wait3A_502 : memref<80x128xf32, #tpu.memory_space<vmem>>)
      %dma_wait3A_509 = arith.constant 1 : i32
      %dma_wait3A_510 = arith.constant 1 : i32
      %dma_wait3A_511 = arith.constant 1 : i32
      %dma_wait3A_512 = arith.constant 0 : i32
      %dma_wait3A_513 = arith.constant 0 : i32
      %dma_wait3A_514 = tpu.memref_slice %arg7[%dma_wait3A_511, %dma_wait3A_512, %dma_wait3A_513] : memref<2x80x128xf32, #tpu.memory_space<vmem>> -> memref<1x80x128xf32, #tpu.memory_space<vmem>>
      %dma_wait3A_515 = tpu.memref_squeeze %dma_wait3A_514 : memref<1x80x128xf32, #tpu.memory_space<vmem>> -> memref<80x128xf32, #tpu.memory_space<vmem>>
      %dma_wait3A_516 = arith.constant 0 : i32
      %dma_wait3A_517 = tpu.memref_slice %arg5[%dma_wait3A_509, %dma_wait3A_510, %dma_wait3A_516] : memref<2x2x80xi32, #tpu.memory_space<vmem>> -> memref<1x1x80xi32, #tpu.memory_space<vmem>>
      %dma_wait3A_518 = tpu.memref_squeeze %dma_wait3A_517 : memref<1x1x80xi32, #tpu.memory_space<vmem>> -> memref<80xi32, #tpu.memory_space<vmem>>
      %dma_wait3A_519 = arith.constant 0 : i32
      %dma_wait3A_520 = arith.constant 0 : i32
      %dma_wait3A_521 = tpu.memref_slice %arg9[%dma_wait3A_519, %dma_wait3A_520] : memref<10000x128xf32, #tpu.memory_space<vmem_shared>> -> memref<10000x128xf32, #tpu.memory_space<vmem_shared>>
      tpu.wait_indirect_dma semaphore(%arg13 : memref<!tpu.dma_semaphore, #tpu.memory_space<semaphore_mem>>) src(%dma_wait3A_521 : memref<10000x128xf32, #tpu.memory_space<vmem_shared>>) dst(%dma_wait3A_515 : memref<80x128xf32, #tpu.memory_space<vmem>>)
      %add3A_522 = arith.constant 2 : i32
      %add3A_523 = arith.addi %add3A_451, %add3A_522 : i32
      %lt3A_524 = arith.constant 125 : i32
      %lt3A_525 = arith.cmpi slt, %add3A_523, %lt3A_524 : i32
      %convert_element_type3A_526 = arith.extui %lt3A_525 : i1 to i32
      %cond3A_527 = arith.constant 0 : i32
      %cond3A_528 = arith.cmpi ne, %convert_element_type3A_526, %cond3A_527 : i32
      scf.if %cond3A_528 {
        %add3A_547 = arith.constant 2 : i32
        %add3A_548 = arith.addi %add3A_451, %add3A_547 : i32
        %dma_start3A_549 = arith.constant 1 : i32
        %dma_start3A_550 = arith.constant 0 : i32
        %dma_start3A_551 = arith.constant 0 : i32
        %dma_start3A_552 = tpu.memref_slice %arg5[%dma_start3A_549, %dma_start3A_550, %dma_start3A_551] : memref<2x2x80xi32, #tpu.memory_space<vmem>> -> memref<1x2x80xi32, #tpu.memory_space<vmem>>
        %dma_start3A_553 = tpu.memref_squeeze %dma_start3A_552 : memref<1x2x80xi32, #tpu.memory_space<vmem>> -> memref<2x80xi32, #tpu.memory_space<vmem>>
        %dma_start3A_554 = arith.constant 0 : i32
        %dma_start3A_555 = arith.constant 0 : i32
        %dma_start3A_556 = tpu.memref_slice %arg3[%add3A, %add3A_548, %dma_start3A_554, %dma_start3A_555] : memref<32x125x2x80xi32, #tpu.memory_space<hbm>> -> memref<1x1x2x80xi32, #tpu.memory_space<hbm>>
        %dma_start3A_557 = tpu.memref_squeeze %dma_start3A_556 : memref<1x1x2x80xi32, #tpu.memory_space<hbm>> -> memref<2x80xi32, #tpu.memory_space<hbm>>
        %dma_start3A_558 = arith.constant 0 : i32
        %dma_start3A_559 = arith.constant 0 : i32
        %dma_start3A_560 = tpu.memref_slice %arg5[%dma_start3A_549, %dma_start3A_558, %dma_start3A_559] : memref<2x2x80xi32, #tpu.memory_space<vmem>> -> memref<1x2x80xi32, #tpu.memory_space<vmem>>
        %dma_start3A_561 = tpu.memref_squeeze %dma_start3A_560 : memref<1x2x80xi32, #tpu.memory_space<vmem>> -> memref<2x80xi32, #tpu.memory_space<vmem>>
        %dma_start3A_562 = arith.constant 0 : i32
        %dma_start3A_563 = arith.constant 0 : i32
        %dma_start3A_564 = tpu.memref_slice %arg3[%add3A, %add3A_548, %dma_start3A_562, %dma_start3A_563] : memref<32x125x2x80xi32, #tpu.memory_space<hbm>> -> memref<1x1x2x80xi32, #tpu.memory_space<hbm>>
        %dma_start3A_565 = tpu.memref_squeeze %dma_start3A_564 : memref<1x1x2x80xi32, #tpu.memory_space<hbm>> -> memref<2x80xi32, #tpu.memory_space<hbm>>
        tpu.enqueue_dma source(%dma_start3A_565 : memref<2x80xi32, #tpu.memory_space<hbm>>) target(%dma_start3A_561 : memref<2x80xi32, #tpu.memory_space<vmem>>) target_semaphore(%arg16 : memref<!tpu.dma_semaphore, #tpu.memory_space<semaphore_mem>>)
      } else {
      }
      %dma_wait3A_529 = arith.constant 0 : i32
      %dma_wait3A_530 = arith.constant 0 : i32
      %dma_wait3A_531 = tpu.memref_slice %arg4[%dma_wait3A_529, %dma_wait3A_530] : memref<160000x128xf32, #tpu.memory_space<hbm>> -> memref<40x128xf32, #tpu.memory_space<hbm>>
      %dma_wait3A_532 = arith.constant 0 : i32
      %dma_wait3A_533 = arith.constant 0 : i32
      %dma_wait3A_534 = tpu.memref_slice %arg4[%dma_wait3A_532, %dma_wait3A_533] : memref<160000x128xf32, #tpu.memory_space<hbm>> -> memref<40x128xf32, #tpu.memory_space<hbm>>
      tpu.wait_dma2 semaphore(%arg14 : memref<!tpu.dma_semaphore, #tpu.memory_space<semaphore_mem>>) src(%arg8 : memref<40x128xf32, #tpu.memory_space<vmem>>) dst(%dma_wait3A_534 : memref<40x128xf32, #tpu.memory_space<hbm>>)
      %scan3A_535 = arith.constant 0 : i32
      %scan3A_536 = arith.constant 40 : i32
      %scan3A_537 = arith.addi %scan3A_535, %scan3A_536 : i32
      %scan3A_538 = arith.constant 1 : i32
      scf.for %scan3A_547 = %scan3A_535 to %scan3A_537 step %scan3A_538  : i32 {
        %mul3A_548 = arith.constant 1 : i32
        %mul3A_549 = arith.muli %scan3A_547, %mul3A_548 : i32
        %add3A_550 = arith.constant 0 : i32
        %add3A_551 = arith.addi %add3A_550, %mul3A_549 : i32
        %add3A_552 = arith.constant 0 : i32
        %add3A_553 = arith.addi %add3A_552, %add3A_551 : i32
        %get3A = arith.constant 1 : i32
        %get3A_554 = arith.index_cast %get3A : i32 to index
        %get3A_555 = arith.index_cast %add3A_553 : i32 to index
        %get3A_556 = arith.constant 0 : index
        %get3A_557 = tpu.vector_load %arg6[%get3A_554, %get3A_555, %get3A_556] {strides = array<i32>} : memref<2x80x128xf32, #tpu.memory_space<vmem>>, vector<1x1x16xf32>,
        %get3A_558 = vector.shape_cast %get3A_557 : vector<1x1x16xf32> to vector<16xf32>
        %get3A_559 = arith.constant 1 : i32
        %get3A_560 = arith.index_cast %get3A_559 : i32 to index
        %get3A_561 = arith.index_cast %add3A_553 : i32 to index
        %get3A_562 = arith.constant 64 : index
        %get3A_563 = tpu.vector_load %arg7[%get3A_560, %get3A_561, %get3A_562] {strides = array<i32>} : memref<2x80x128xf32, #tpu.memory_space<vmem>>, vector<1x1x16xf32>,
        %get3A_564 = vector.shape_cast %get3A_563 : vector<1x1x16xf32> to vector<16xf32>
        %add3A_565 = arith.addf %get3A_558, %get3A_564 : vector<16xf32>
        %swap3A = arith.index_cast %add3A_551 : i32 to index
        %swap3A_566 = arith.constant 0 : index
        %swap3A_567 = tpu.vector_load %arg8[%swap3A, %swap3A_566] {strides = array<i32>} : memref<40x128xf32, #tpu.memory_space<vmem>>, vector<1x16xf32>,
        %swap3A_568 = vector.shape_cast %swap3A_567 : vector<1x16xf32> to vector<16xf32>
        %swap3A_569 = vector.shape_cast %add3A_565 : vector<16xf32> to vector<1x16xf32>
        tpu.vector_store %arg8[%swap3A, %swap3A_566], %swap3A_569 {strides = array<i32>} : memref<40x128xf32, #tpu.memory_space<vmem>>, vector<1x16xf32>,
        %add3A_570 = arith.constant 0 : i32
        %add3A_571 = arith.addi %add3A_570, %add3A_551 : i32
        %get3A_572 = arith.constant 1 : i32
        %get3A_573 = arith.index_cast %get3A_572 : i32 to index
        %get3A_574 = arith.index_cast %add3A_571 : i32 to index
        %get3A_575 = arith.constant 16 : index
        %get3A_576 = tpu.vector_load %arg6[%get3A_573, %get3A_574, %get3A_575] {strides = array<i32>} : memref<2x80x128xf32, #tpu.memory_space<vmem>>, vector<1x1x16xf32>,
        %get3A_577 = vector.shape_cast %get3A_576 : vector<1x1x16xf32> to vector<16xf32>
        %get3A_578 = arith.constant 1 : i32
        %get3A_579 = arith.index_cast %get3A_578 : i32 to index
        %get3A_580 = arith.index_cast %add3A_571 : i32 to index
        %get3A_581 = arith.constant 80 : index
        %get3A_582 = tpu.vector_load %arg7[%get3A_579, %get3A_580, %get3A_581] {strides = array<i32>} : memref<2x80x128xf32, #tpu.memory_space<vmem>>, vector<1x1x16xf32>,
        %get3A_583 = vector.shape_cast %get3A_582 : vector<1x1x16xf32> to vector<16xf32>
        %add3A_584 = arith.addf %get3A_577, %get3A_583 : vector<16xf32>
        %swap3A_585 = arith.index_cast %add3A_551 : i32 to index
        %swap3A_586 = arith.constant 16 : index
        %swap3A_587 = tpu.vector_load %arg8[%swap3A_585, %swap3A_586] {strides = array<i32>} : memref<40x128xf32, #tpu.memory_space<vmem>>, vector<1x16xf32>,
        %swap3A_588 = vector.shape_cast %swap3A_587 : vector<1x16xf32> to vector<16xf32>
        %swap3A_589 = vector.shape_cast %add3A_584 : vector<16xf32> to vector<1x16xf32>
        tpu.vector_store %arg8[%swap3A_585, %swap3A_586], %swap3A_589 {strides = array<i32>} : memref<40x128xf32, #tpu.memory_space<vmem>>, vector<1x16xf32>,
        %add3A_590 = arith.constant 0 : i32
        %add3A_591 = arith.addi %add3A_590, %add3A_551 : i32
        %get3A_592 = arith.constant 1 : i32
        %get3A_593 = arith.index_cast %get3A_592 : i32 to index
        %get3A_594 = arith.index_cast %add3A_591 : i32 to index
        %get3A_595 = arith.constant 32 : index
        %get3A_596 = tpu.vector_load %arg6[%get3A_593, %get3A_594, %get3A_595] {strides = array<i32>} : memref<2x80x128xf32, #tpu.memory_space<vmem>>, vector<1x1x16xf32>,
        %get3A_597 = vector.shape_cast %get3A_596 : vector<1x1x16xf32> to vector<16xf32>
        %get3A_598 = arith.constant 1 : i32
        %get3A_599 = arith.index_cast %get3A_598 : i32 to index
        %get3A_600 = arith.index_cast %add3A_591 : i32 to index
        %get3A_601 = arith.constant 96 : index
        %get3A_602 = tpu.vector_load %arg7[%get3A_599, %get3A_600, %get3A_601] {strides = array<i32>} : memref<2x80x128xf32, #tpu.memory_space<vmem>>, vector<1x1x16xf32>,
        %get3A_603 = vector.shape_cast %get3A_602 : vector<1x1x16xf32> to vector<16xf32>
        %add3A_604 = arith.addf %get3A_597, %get3A_603 : vector<16xf32>
        %swap3A_605 = arith.index_cast %add3A_551 : i32 to index
        %swap3A_606 = arith.constant 32 : index
        %swap3A_607 = tpu.vector_load %arg8[%swap3A_605, %swap3A_606] {strides = array<i32>} : memref<40x128xf32, #tpu.memory_space<vmem>>, vector<1x16xf32>,
        %swap3A_608 = vector.shape_cast %swap3A_607 : vector<1x16xf32> to vector<16xf32>
        %swap3A_609 = vector.shape_cast %add3A_604 : vector<16xf32> to vector<1x16xf32>
        tpu.vector_store %arg8[%swap3A_605, %swap3A_606], %swap3A_609 {strides = array<i32>} : memref<40x128xf32, #tpu.memory_space<vmem>>, vector<1x16xf32>,
        %add3A_610 = arith.constant 0 : i32
        %add3A_611 = arith.addi %add3A_610, %add3A_551 : i32
        %get3A_612 = arith.constant 1 : i32
        %get3A_613 = arith.index_cast %get3A_612 : i32 to index
        %get3A_614 = arith.index_cast %add3A_611 : i32 to index
        %get3A_615 = arith.constant 48 : index
        %get3A_616 = tpu.vector_load %arg6[%get3A_613, %get3A_614, %get3A_615] {strides = array<i32>} : memref<2x80x128xf32, #tpu.memory_space<vmem>>, vector<1x1x16xf32>,
        %get3A_617 = vector.shape_cast %get3A_616 : vector<1x1x16xf32> to vector<16xf32>
        %get3A_618 = arith.constant 1 : i32
        %get3A_619 = arith.index_cast %get3A_618 : i32 to index
        %get3A_620 = arith.index_cast %add3A_611 : i32 to index
        %get3A_621 = arith.constant 112 : index
        %get3A_622 = tpu.vector_load %arg7[%get3A_619, %get3A_620, %get3A_621] {strides = array<i32>} : memref<2x80x128xf32, #tpu.memory_space<vmem>>, vector<1x1x16xf32>,
        %get3A_623 = vector.shape_cast %get3A_622 : vector<1x1x16xf32> to vector<16xf32>
        %add3A_624 = arith.addf %get3A_617, %get3A_623 : vector<16xf32>
        %swap3A_625 = arith.index_cast %add3A_551 : i32 to index
        %swap3A_626 = arith.constant 48 : index
        %swap3A_627 = tpu.vector_load %arg8[%swap3A_625, %swap3A_626] {strides = array<i32>} : memref<40x128xf32, #tpu.memory_space<vmem>>, vector<1x16xf32>,
        %swap3A_628 = vector.shape_cast %swap3A_627 : vector<1x16xf32> to vector<16xf32>
        %swap3A_629 = vector.shape_cast %add3A_624 : vector<16xf32> to vector<1x16xf32>
        tpu.vector_store %arg8[%swap3A_625, %swap3A_626], %swap3A_629 {strides = array<i32>} : memref<40x128xf32, #tpu.memory_space<vmem>>, vector<1x16xf32>,
        %add3A_630 = arith.constant 40 : i32
        %add3A_631 = arith.addi %add3A_630, %add3A_551 : i32
        %get3A_632 = arith.constant 1 : i32
        %get3A_633 = arith.index_cast %get3A_632 : i32 to index
        %get3A_634 = arith.index_cast %add3A_631 : i32 to index
        %get3A_635 = arith.constant 0 : index
        %get3A_636 = tpu.vector_load %arg6[%get3A_633, %get3A_634, %get3A_635] {strides = array<i32>} : memref<2x80x128xf32, #tpu.memory_space<vmem>>, vector<1x1x16xf32>,
        %get3A_637 = vector.shape_cast %get3A_636 : vector<1x1x16xf32> to vector<16xf32>
        %get3A_638 = arith.constant 1 : i32
        %get3A_639 = arith.index_cast %get3A_638 : i32 to index
        %get3A_640 = arith.index_cast %add3A_631 : i32 to index
        %get3A_641 = arith.constant 64 : index
        %get3A_642 = tpu.vector_load %arg7[%get3A_639, %get3A_640, %get3A_641] {strides = array<i32>} : memref<2x80x128xf32, #tpu.memory_space<vmem>>, vector<1x1x16xf32>,
        %get3A_643 = vector.shape_cast %get3A_642 : vector<1x1x16xf32> to vector<16xf32>
        %add3A_644 = arith.addf %get3A_637, %get3A_643 : vector<16xf32>
        %swap3A_645 = arith.index_cast %add3A_551 : i32 to index
        %swap3A_646 = arith.constant 64 : index
        %swap3A_647 = tpu.vector_load %arg8[%swap3A_645, %swap3A_646] {strides = array<i32>} : memref<40x128xf32, #tpu.memory_space<vmem>>, vector<1x16xf32>,
        %swap3A_648 = vector.shape_cast %swap3A_647 : vector<1x16xf32> to vector<16xf32>
        %swap3A_649 = vector.shape_cast %add3A_644 : vector<16xf32> to vector<1x16xf32>
        tpu.vector_store %arg8[%swap3A_645, %swap3A_646], %swap3A_649 {strides = array<i32>} : memref<40x128xf32, #tpu.memory_space<vmem>>, vector<1x16xf32>,
        %add3A_650 = arith.constant 40 : i32
        %add3A_651 = arith.addi %add3A_650, %add3A_551 : i32
        %get3A_652 = arith.constant 1 : i32
        %get3A_653 = arith.index_cast %get3A_652 : i32 to index
        %get3A_654 = arith.index_cast %add3A_651 : i32 to index
        %get3A_655 = arith.constant 16 : index
        %get3A_656 = tpu.vector_load %arg6[%get3A_653, %get3A_654, %get3A_655] {strides = array<i32>} : memref<2x80x128xf32, #tpu.memory_space<vmem>>, vector<1x1x16xf32>,
        %get3A_657 = vector.shape_cast %get3A_656 : vector<1x1x16xf32> to vector<16xf32>
        %get3A_658 = arith.constant 1 : i32
        %get3A_659 = arith.index_cast %get3A_658 : i32 to index
        %get3A_660 = arith.index_cast %add3A_651 : i32 to index
        %get3A_661 = arith.constant 80 : index
        %get3A_662 = tpu.vector_load %arg7[%get3A_659, %get3A_660, %get3A_661] {strides = array<i32>} : memref<2x80x128xf32, #tpu.memory_space<vmem>>, vector<1x1x16xf32>,
        %get3A_663 = vector.shape_cast %get3A_662 : vector<1x1x16xf32> to vector<16xf32>
        %add3A_664 = arith.addf %get3A_657, %get3A_663 : vector<16xf32>
        %swap3A_665 = arith.index_cast %add3A_551 : i32 to index
        %swap3A_666 = arith.constant 80 : index
        %swap3A_667 = tpu.vector_load %arg8[%swap3A_665, %swap3A_666] {strides = array<i32>} : memref<40x128xf32, #tpu.memory_space<vmem>>, vector<1x16xf32>,
        %swap3A_668 = vector.shape_cast %swap3A_667 : vector<1x16xf32> to vector<16xf32>
        %swap3A_669 = vector.shape_cast %add3A_664 : vector<16xf32> to vector<1x16xf32>
        tpu.vector_store %arg8[%swap3A_665, %swap3A_666], %swap3A_669 {strides = array<i32>} : memref<40x128xf32, #tpu.memory_space<vmem>>, vector<1x16xf32>,
        %add3A_670 = arith.constant 40 : i32
        %add3A_671 = arith.addi %add3A_670, %add3A_551 : i32
        %get3A_672 = arith.constant 1 : i32
        %get3A_673 = arith.index_cast %get3A_672 : i32 to index
        %get3A_674 = arith.index_cast %add3A_671 : i32 to index
        %get3A_675 = arith.constant 32 : index
        %get3A_676 = tpu.vector_load %arg6[%get3A_673, %get3A_674, %get3A_675] {strides = array<i32>} : memref<2x80x128xf32, #tpu.memory_space<vmem>>, vector<1x1x16xf32>,
        %get3A_677 = vector.shape_cast %get3A_676 : vector<1x1x16xf32> to vector<16xf32>
        %get3A_678 = arith.constant 1 : i32
        %get3A_679 = arith.index_cast %get3A_678 : i32 to index
        %get3A_680 = arith.index_cast %add3A_671 : i32 to index
        %get3A_681 = arith.constant 96 : index
        %get3A_682 = tpu.vector_load %arg7[%get3A_679, %get3A_680, %get3A_681] {strides = array<i32>} : memref<2x80x128xf32, #tpu.memory_space<vmem>>, vector<1x1x16xf32>,
        %get3A_683 = vector.shape_cast %get3A_682 : vector<1x1x16xf32> to vector<16xf32>
        %add3A_684 = arith.addf %get3A_677, %get3A_683 : vector<16xf32>
        %swap3A_685 = arith.index_cast %add3A_551 : i32 to index
        %swap3A_686 = arith.constant 96 : index
        %swap3A_687 = tpu.vector_load %arg8[%swap3A_685, %swap3A_686] {strides = array<i32>} : memref<40x128xf32, #tpu.memory_space<vmem>>, vector<1x16xf32>,
        %swap3A_688 = vector.shape_cast %swap3A_687 : vector<1x16xf32> to vector<16xf32>
        %swap3A_689 = vector.shape_cast %add3A_684 : vector<16xf32> to vector<1x16xf32>
        tpu.vector_store %arg8[%swap3A_685, %swap3A_686], %swap3A_689 {strides = array<i32>} : memref<40x128xf32, #tpu.memory_space<vmem>>, vector<1x16xf32>,
        %add3A_690 = arith.constant 40 : i32
        %add3A_691 = arith.addi %add3A_690, %add3A_551 : i32
        %get3A_692 = arith.constant 1 : i32
        %get3A_693 = arith.index_cast %get3A_692 : i32 to index
        %get3A_694 = arith.index_cast %add3A_691 : i32 to index
        %get3A_695 = arith.constant 48 : index
        %get3A_696 = tpu.vector_load %arg6[%get3A_693, %get3A_694, %get3A_695] {strides = array<i32>} : memref<2x80x128xf32, #tpu.memory_space<vmem>>, vector<1x1x16xf32>,
        %get3A_697 = vector.shape_cast %get3A_696 : vector<1x1x16xf32> to vector<16xf32>
        %get3A_698 = arith.constant 1 : i32
        %get3A_699 = arith.index_cast %get3A_698 : i32 to index
        %get3A_700 = arith.index_cast %add3A_691 : i32 to index
        %get3A_701 = arith.constant 112 : index
        %get3A_702 = tpu.vector_load %arg7[%get3A_699, %get3A_700, %get3A_701] {strides = array<i32>} : memref<2x80x128xf32, #tpu.memory_space<vmem>>, vector<1x1x16xf32>,
        %get3A_703 = vector.shape_cast %get3A_702 : vector<1x1x16xf32> to vector<16xf32>
        %add3A_704 = arith.addf %get3A_697, %get3A_703 : vector<16xf32>
        %swap3A_705 = arith.index_cast %add3A_551 : i32 to index
        %swap3A_706 = arith.constant 112 : index
        %swap3A_707 = tpu.vector_load %arg8[%swap3A_705, %swap3A_706] {strides = array<i32>} : memref<40x128xf32, #tpu.memory_space<vmem>>, vector<1x16xf32>,
        %swap3A_708 = vector.shape_cast %swap3A_707 : vector<1x16xf32> to vector<16xf32>
        %swap3A_709 = vector.shape_cast %add3A_704 : vector<16xf32> to vector<1x16xf32>
        tpu.vector_store %arg8[%swap3A_705, %swap3A_706], %swap3A_709 {strides = array<i32>} : memref<40x128xf32, #tpu.memory_space<vmem>>, vector<1x16xf32>,
      }
      %scan3A_539 = arith.constant 40 : i32
      %add3A_540 = arith.addi %mul3A_2, %add3A_451 : i32
      %mul3A_541 = arith.constant 40 : i32
      %mul3A_542 = arith.muli %add3A_540, %mul3A_541 : i32
      %dma_start3A_543 = arith.constant 0 : i32
      %dma_start3A_544 = tpu.memref_slice %arg4[%mul3A_542, %dma_start3A_543] : memref<160000x128xf32, #tpu.memory_space<hbm>> -> memref<40x128xf32, #tpu.memory_space<hbm>>
      %dma_start3A_545 = arith.constant 0 : i32
      %dma_start3A_546 = tpu.memref_slice %arg4[%mul3A_542, %dma_start3A_545] : memref<160000x128xf32, #tpu.memory_space<hbm>> -> memref<40x128xf32, #tpu.memory_space<hbm>>
      tpu.enqueue_dma source(%arg8 : memref<40x128xf32, #tpu.memory_space<vmem>>) target(%dma_start3A_546 : memref<40x128xf32, #tpu.memory_space<hbm>>) target_semaphore(%arg14 : memref<!tpu.dma_semaphore, #tpu.memory_space<semaphore_mem>>)
    }
    %scan3A_294 = arith.constant 61 : i32
    %dma_wait3A_295 = arith.constant 0 : i32
    %dma_wait3A_296 = arith.constant 0 : i32
    %dma_wait3A_297 = arith.constant 0 : i32
    %dma_wait3A_298 = arith.constant 0 : i32
    %dma_wait3A_299 = arith.constant 0 : i32
    %dma_wait3A_300 = tpu.memref_slice %arg6[%dma_wait3A_297, %dma_wait3A_298, %dma_wait3A_299] : memref<2x80x128xf32, #tpu.memory_space<vmem>> -> memref<1x80x128xf32, #tpu.memory_space<vmem>>
    %dma_wait3A_301 = tpu.memref_squeeze %dma_wait3A_300 : memref<1x80x128xf32, #tpu.memory_space<vmem>> -> memref<80x128xf32, #tpu.memory_space<vmem>>
    %dma_wait3A_302 = arith.constant 0 : i32
    %dma_wait3A_303 = tpu.memref_slice %arg5[%dma_wait3A_295, %dma_wait3A_296, %dma_wait3A_302] : memref<2x2x80xi32, #tpu.memory_space<vmem>> -> memref<1x1x80xi32, #tpu.memory_space<vmem>>
    %dma_wait3A_304 = tpu.memref_squeeze %dma_wait3A_303 : memref<1x1x80xi32, #tpu.memory_space<vmem>> -> memref<80xi32, #tpu.memory_space<vmem>>
    %dma_wait3A_305 = arith.constant 0 : i32
    %dma_wait3A_306 = arith.constant 0 : i32
    %dma_wait3A_307 = tpu.memref_slice %arg9[%dma_wait3A_305, %dma_wait3A_306] : memref<10000x128xf32, #tpu.memory_space<vmem_shared>> -> memref<10000x128xf32, #tpu.memory_space<vmem_shared>>
    tpu.wait_indirect_dma semaphore(%arg10 : memref<!tpu.dma_semaphore, #tpu.memory_space<semaphore_mem>>) src(%dma_wait3A_307 : memref<10000x128xf32, #tpu.memory_space<vmem_shared>>) dst(%dma_wait3A_301 : memref<80x128xf32, #tpu.memory_space<vmem>>)
    %dma_wait3A_308 = arith.constant 0 : i32
    %dma_wait3A_309 = arith.constant 1 : i32
    %dma_wait3A_310 = arith.constant 0 : i32
    %dma_wait3A_311 = arith.constant 0 : i32
    %dma_wait3A_312 = arith.constant 0 : i32
    %dma_wait3A_313 = tpu.memref_slice %arg7[%dma_wait3A_310, %dma_wait3A_311, %dma_wait3A_312] : memref<2x80x128xf32, #tpu.memory_space<vmem>> -> memref<1x80x128xf32, #tpu.memory_space<vmem>>
    %dma_wait3A_314 = tpu.memref_squeeze %dma_wait3A_313 : memref<1x80x128xf32, #tpu.memory_space<vmem>> -> memref<80x128xf32, #tpu.memory_space<vmem>>
    %dma_wait3A_315 = arith.constant 0 : i32
    %dma_wait3A_316 = tpu.memref_slice %arg5[%dma_wait3A_308, %dma_wait3A_309, %dma_wait3A_315] : memref<2x2x80xi32, #tpu.memory_space<vmem>> -> memref<1x1x80xi32, #tpu.memory_space<vmem>>
    %dma_wait3A_317 = tpu.memref_squeeze %dma_wait3A_316 : memref<1x1x80xi32, #tpu.memory_space<vmem>> -> memref<80xi32, #tpu.memory_space<vmem>>
    %dma_wait3A_318 = arith.constant 0 : i32
    %dma_wait3A_319 = arith.constant 0 : i32
    %dma_wait3A_320 = tpu.memref_slice %arg9[%dma_wait3A_318, %dma_wait3A_319] : memref<10000x128xf32, #tpu.memory_space<vmem_shared>> -> memref<10000x128xf32, #tpu.memory_space<vmem_shared>>
    tpu.wait_indirect_dma semaphore(%arg12 : memref<!tpu.dma_semaphore, #tpu.memory_space<semaphore_mem>>) src(%dma_wait3A_320 : memref<10000x128xf32, #tpu.memory_space<vmem_shared>>) dst(%dma_wait3A_314 : memref<80x128xf32, #tpu.memory_space<vmem>>)
    %dma_wait3A_321 = arith.constant 0 : i32
    %dma_wait3A_322 = arith.constant 0 : i32
    %dma_wait3A_323 = tpu.memref_slice %arg4[%dma_wait3A_321, %dma_wait3A_322] : memref<160000x128xf32, #tpu.memory_space<hbm>> -> memref<40x128xf32, #tpu.memory_space<hbm>>
    %dma_wait3A_324 = arith.constant 0 : i32
    %dma_wait3A_325 = arith.constant 0 : i32
    %dma_wait3A_326 = tpu.memref_slice %arg4[%dma_wait3A_324, %dma_wait3A_325] : memref<160000x128xf32, #tpu.memory_space<hbm>> -> memref<40x128xf32, #tpu.memory_space<hbm>>
    tpu.wait_dma2 semaphore(%arg14 : memref<!tpu.dma_semaphore, #tpu.memory_space<semaphore_mem>>) src(%arg8 : memref<40x128xf32, #tpu.memory_space<vmem>>) dst(%dma_wait3A_326 : memref<40x128xf32, #tpu.memory_space<hbm>>)
    %scan3A_327 = arith.constant 0 : i32
    %scan3A_328 = arith.constant 40 : i32
    %scan3A_329 = arith.addi %scan3A_327, %scan3A_328 : i32
    %scan3A_330 = arith.constant 1 : i32
    scf.for %scan3A_346 = %scan3A_327 to %scan3A_329 step %scan3A_330  : i32 {
      %mul3A_347 = arith.constant 1 : i32
      %mul3A_348 = arith.muli %scan3A_346, %mul3A_347 : i32
      %add3A_349 = arith.constant 0 : i32
      %add3A_350 = arith.addi %add3A_349, %mul3A_348 : i32
      %add3A_351 = arith.constant 0 : i32
      %add3A_352 = arith.addi %add3A_351, %add3A_350 : i32
      %get3A = arith.constant 0 : i32
      %get3A_353 = arith.index_cast %get3A : i32 to index
      %get3A_354 = arith.index_cast %add3A_352 : i32 to index
      %get3A_355 = arith.constant 0 : index
      %get3A_356 = tpu.vector_load %arg6[%get3A_353, %get3A_354, %get3A_355] {strides = array<i32>} : memref<2x80x128xf32, #tpu.memory_space<vmem>>, vector<1x1x16xf32>,
      %get3A_357 = vector.shape_cast %get3A_356 : vector<1x1x16xf32> to vector<16xf32>
      %get3A_358 = arith.constant 0 : i32
      %get3A_359 = arith.index_cast %get3A_358 : i32 to index
      %get3A_360 = arith.index_cast %add3A_352 : i32 to index
      %get3A_361 = arith.constant 64 : index
      %get3A_362 = tpu.vector_load %arg7[%get3A_359, %get3A_360, %get3A_361] {strides = array<i32>} : memref<2x80x128xf32, #tpu.memory_space<vmem>>, vector<1x1x16xf32>,
      %get3A_363 = vector.shape_cast %get3A_362 : vector<1x1x16xf32> to vector<16xf32>
      %add3A_364 = arith.addf %get3A_357, %get3A_363 : vector<16xf32>
      %swap3A = arith.index_cast %add3A_350 : i32 to index
      %swap3A_365 = arith.constant 0 : index
      %swap3A_366 = tpu.vector_load %arg8[%swap3A, %swap3A_365] {strides = array<i32>} : memref<40x128xf32, #tpu.memory_space<vmem>>, vector<1x16xf32>,
      %swap3A_367 = vector.shape_cast %swap3A_366 : vector<1x16xf32> to vector<16xf32>
      %swap3A_368 = vector.shape_cast %add3A_364 : vector<16xf32> to vector<1x16xf32>
      tpu.vector_store %arg8[%swap3A, %swap3A_365], %swap3A_368 {strides = array<i32>} : memref<40x128xf32, #tpu.memory_space<vmem>>, vector<1x16xf32>,
      %add3A_369 = arith.constant 0 : i32
      %add3A_370 = arith.addi %add3A_369, %add3A_350 : i32
      %get3A_371 = arith.constant 0 : i32
      %get3A_372 = arith.index_cast %get3A_371 : i32 to index
      %get3A_373 = arith.index_cast %add3A_370 : i32 to index
      %get3A_374 = arith.constant 16 : index
      %get3A_375 = tpu.vector_load %arg6[%get3A_372, %get3A_373, %get3A_374] {strides = array<i32>} : memref<2x80x128xf32, #tpu.memory_space<vmem>>, vector<1x1x16xf32>,
      %get3A_376 = vector.shape_cast %get3A_375 : vector<1x1x16xf32> to vector<16xf32>
      %get3A_377 = arith.constant 0 : i32
      %get3A_378 = arith.index_cast %get3A_377 : i32 to index
      %get3A_379 = arith.index_cast %add3A_370 : i32 to index
      %get3A_380 = arith.constant 80 : index
      %get3A_381 = tpu.vector_load %arg7[%get3A_378, %get3A_379, %get3A_380] {strides = array<i32>} : memref<2x80x128xf32, #tpu.memory_space<vmem>>, vector<1x1x16xf32>,
      %get3A_382 = vector.shape_cast %get3A_381 : vector<1x1x16xf32> to vector<16xf32>
      %add3A_383 = arith.addf %get3A_376, %get3A_382 : vector<16xf32>
      %swap3A_384 = arith.index_cast %add3A_350 : i32 to index
      %swap3A_385 = arith.constant 16 : index
      %swap3A_386 = tpu.vector_load %arg8[%swap3A_384, %swap3A_385] {strides = array<i32>} : memref<40x128xf32, #tpu.memory_space<vmem>>, vector<1x16xf32>,
      %swap3A_387 = vector.shape_cast %swap3A_386 : vector<1x16xf32> to vector<16xf32>
      %swap3A_388 = vector.shape_cast %add3A_383 : vector<16xf32> to vector<1x16xf32>
      tpu.vector_store %arg8[%swap3A_384, %swap3A_385], %swap3A_388 {strides = array<i32>} : memref<40x128xf32, #tpu.memory_space<vmem>>, vector<1x16xf32>,
      %add3A_389 = arith.constant 0 : i32
      %add3A_390 = arith.addi %add3A_389, %add3A_350 : i32
      %get3A_391 = arith.constant 0 : i32
      %get3A_392 = arith.index_cast %get3A_391 : i32 to index
      %get3A_393 = arith.index_cast %add3A_390 : i32 to index
      %get3A_394 = arith.constant 32 : index
      %get3A_395 = tpu.vector_load %arg6[%get3A_392, %get3A_393, %get3A_394] {strides = array<i32>} : memref<2x80x128xf32, #tpu.memory_space<vmem>>, vector<1x1x16xf32>,
      %get3A_396 = vector.shape_cast %get3A_395 : vector<1x1x16xf32> to vector<16xf32>
      %get3A_397 = arith.constant 0 : i32
      %get3A_398 = arith.index_cast %get3A_397 : i32 to index
      %get3A_399 = arith.index_cast %add3A_390 : i32 to index
      %get3A_400 = arith.constant 96 : index
      %get3A_401 = tpu.vector_load %arg7[%get3A_398, %get3A_399, %get3A_400] {strides = array<i32>} : memref<2x80x128xf32, #tpu.memory_space<vmem>>, vector<1x1x16xf32>,
      %get3A_402 = vector.shape_cast %get3A_401 : vector<1x1x16xf32> to vector<16xf32>
      %add3A_403 = arith.addf %get3A_396, %get3A_402 : vector<16xf32>
      %swap3A_404 = arith.index_cast %add3A_350 : i32 to index
      %swap3A_405 = arith.constant 32 : index
      %swap3A_406 = tpu.vector_load %arg8[%swap3A_404, %swap3A_405] {strides = array<i32>} : memref<40x128xf32, #tpu.memory_space<vmem>>, vector<1x16xf32>,
      %swap3A_407 = vector.shape_cast %swap3A_406 : vector<1x16xf32> to vector<16xf32>
      %swap3A_408 = vector.shape_cast %add3A_403 : vector<16xf32> to vector<1x16xf32>
      tpu.vector_store %arg8[%swap3A_404, %swap3A_405], %swap3A_408 {strides = array<i32>} : memref<40x128xf32, #tpu.memory_space<vmem>>, vector<1x16xf32>,
      %add3A_409 = arith.constant 0 : i32
      %add3A_410 = arith.addi %add3A_409, %add3A_350 : i32
      %get3A_411 = arith.constant 0 : i32
      %get3A_412 = arith.index_cast %get3A_411 : i32 to index
      %get3A_413 = arith.index_cast %add3A_410 : i32 to index
      %get3A_414 = arith.constant 48 : index
      %get3A_415 = tpu.vector_load %arg6[%get3A_412, %get3A_413, %get3A_414] {strides = array<i32>} : memref<2x80x128xf32, #tpu.memory_space<vmem>>, vector<1x1x16xf32>,
      %get3A_416 = vector.shape_cast %get3A_415 : vector<1x1x16xf32> to vector<16xf32>
      %get3A_417 = arith.constant 0 : i32
      %get3A_418 = arith.index_cast %get3A_417 : i32 to index
      %get3A_419 = arith.index_cast %add3A_410 : i32 to index
      %get3A_420 = arith.constant 112 : index
      %get3A_421 = tpu.vector_load %arg7[%get3A_418, %get3A_419, %get3A_420] {strides = array<i32>} : memref<2x80x128xf32, #tpu.memory_space<vmem>>, vector<1x1x16xf32>,
      %get3A_422 = vector.shape_cast %get3A_421 : vector<1x1x16xf32> to vector<16xf32>
      %add3A_423 = arith.addf %get3A_416, %get3A_422 : vector<16xf32>
      %swap3A_424 = arith.index_cast %add3A_350 : i32 to index
      %swap3A_425 = arith.constant 48 : index
      %swap3A_426 = tpu.vector_load %arg8[%swap3A_424, %swap3A_425] {strides = array<i32>} : memref<40x128xf32, #tpu.memory_space<vmem>>, vector<1x16xf32>,
      %swap3A_427 = vector.shape_cast %swap3A_426 : vector<1x16xf32> to vector<16xf32>
      %swap3A_428 = vector.shape_cast %add3A_423 : vector<16xf32> to vector<1x16xf32>
      tpu.vector_store %arg8[%swap3A_424, %swap3A_425], %swap3A_428 {strides = array<i32>} : memref<40x128xf32, #tpu.memory_space<vmem>>, vector<1x16xf32>,
      %add3A_429 = arith.constant 40 : i32
      %add3A_430 = arith.addi %add3A_429, %add3A_350 : i32
      %get3A_431 = arith.constant 0 : i32
      %get3A_432 = arith.index_cast %get3A_431 : i32 to index
      %get3A_433 = arith.index_cast %add3A_430 : i32 to index
      %get3A_434 = arith.constant 0 : index
      %get3A_435 = tpu.vector_load %arg6[%get3A_432, %get3A_433, %get3A_434] {strides = array<i32>} : memref<2x80x128xf32, #tpu.memory_space<vmem>>, vector<1x1x16xf32>,
      %get3A_436 = vector.shape_cast %get3A_435 : vector<1x1x16xf32> to vector<16xf32>
      %get3A_437 = arith.constant 0 : i32
      %get3A_438 = arith.index_cast %get3A_437 : i32 to index
      %get3A_439 = arith.index_cast %add3A_430 : i32 to index
      %get3A_440 = arith.constant 64 : index
      %get3A_441 = tpu.vector_load %arg7[%get3A_438, %get3A_439, %get3A_440] {strides = array<i32>} : memref<2x80x128xf32, #tpu.memory_space<vmem>>, vector<1x1x16xf32>,
      %get3A_442 = vector.shape_cast %get3A_441 : vector<1x1x16xf32> to vector<16xf32>
      %add3A_443 = arith.addf %get3A_436, %get3A_442 : vector<16xf32>
      %swap3A_444 = arith.index_cast %add3A_350 : i32 to index
      %swap3A_445 = arith.constant 64 : index
      %swap3A_446 = tpu.vector_load %arg8[%swap3A_444, %swap3A_445] {strides = array<i32>} : memref<40x128xf32, #tpu.memory_space<vmem>>, vector<1x16xf32>,
      %swap3A_447 = vector.shape_cast %swap3A_446 : vector<1x16xf32> to vector<16xf32>
      %swap3A_448 = vector.shape_cast %add3A_443 : vector<16xf32> to vector<1x16xf32>
      tpu.vector_store %arg8[%swap3A_444, %swap3A_445], %swap3A_448 {strides = array<i32>} : memref<40x128xf32, #tpu.memory_space<vmem>>, vector<1x16xf32>,
      %add3A_449 = arith.constant 40 : i32
      %add3A_450 = arith.addi %add3A_449, %add3A_350 : i32
      %get3A_451 = arith.constant 0 : i32
      %get3A_452 = arith.index_cast %get3A_451 : i32 to index
      %get3A_453 = arith.index_cast %add3A_450 : i32 to index
      %get3A_454 = arith.constant 16 : index
      %get3A_455 = tpu.vector_load %arg6[%get3A_452, %get3A_453, %get3A_454] {strides = array<i32>} : memref<2x80x128xf32, #tpu.memory_space<vmem>>, vector<1x1x16xf32>,
      %get3A_456 = vector.shape_cast %get3A_455 : vector<1x1x16xf32> to vector<16xf32>
      %get3A_457 = arith.constant 0 : i32
      %get3A_458 = arith.index_cast %get3A_457 : i32 to index
      %get3A_459 = arith.index_cast %add3A_450 : i32 to index
      %get3A_460 = arith.constant 80 : index
      %get3A_461 = tpu.vector_load %arg7[%get3A_458, %get3A_459, %get3A_460] {strides = array<i32>} : memref<2x80x128xf32, #tpu.memory_space<vmem>>, vector<1x1x16xf32>,
      %get3A_462 = vector.shape_cast %get3A_461 : vector<1x1x16xf32> to vector<16xf32>
      %add3A_463 = arith.addf %get3A_456, %get3A_462 : vector<16xf32>
      %swap3A_464 = arith.index_cast %add3A_350 : i32 to index
      %swap3A_465 = arith.constant 80 : index
      %swap3A_466 = tpu.vector_load %arg8[%swap3A_464, %swap3A_465] {strides = array<i32>} : memref<40x128xf32, #tpu.memory_space<vmem>>, vector<1x16xf32>,
      %swap3A_467 = vector.shape_cast %swap3A_466 : vector<1x16xf32> to vector<16xf32>
      %swap3A_468 = vector.shape_cast %add3A_463 : vector<16xf32> to vector<1x16xf32>
      tpu.vector_store %arg8[%swap3A_464, %swap3A_465], %swap3A_468 {strides = array<i32>} : memref<40x128xf32, #tpu.memory_space<vmem>>, vector<1x16xf32>,
      %add3A_469 = arith.constant 40 : i32
      %add3A_470 = arith.addi %add3A_469, %add3A_350 : i32
      %get3A_471 = arith.constant 0 : i32
      %get3A_472 = arith.index_cast %get3A_471 : i32 to index
      %get3A_473 = arith.index_cast %add3A_470 : i32 to index
      %get3A_474 = arith.constant 32 : index
      %get3A_475 = tpu.vector_load %arg6[%get3A_472, %get3A_473, %get3A_474] {strides = array<i32>} : memref<2x80x128xf32, #tpu.memory_space<vmem>>, vector<1x1x16xf32>,
      %get3A_476 = vector.shape_cast %get3A_475 : vector<1x1x16xf32> to vector<16xf32>
      %get3A_477 = arith.constant 0 : i32
      %get3A_478 = arith.index_cast %get3A_477 : i32 to index
      %get3A_479 = arith.index_cast %add3A_470 : i32 to index
      %get3A_480 = arith.constant 96 : index
      %get3A_481 = tpu.vector_load %arg7[%get3A_478, %get3A_479, %get3A_480] {strides = array<i32>} : memref<2x80x128xf32, #tpu.memory_space<vmem>>, vector<1x1x16xf32>,
      %get3A_482 = vector.shape_cast %get3A_481 : vector<1x1x16xf32> to vector<16xf32>
      %add3A_483 = arith.addf %get3A_476, %get3A_482 : vector<16xf32>
      %swap3A_484 = arith.index_cast %add3A_350 : i32 to index
      %swap3A_485 = arith.constant 96 : index
      %swap3A_486 = tpu.vector_load %arg8[%swap3A_484, %swap3A_485] {strides = array<i32>} : memref<40x128xf32, #tpu.memory_space<vmem>>, vector<1x16xf32>,
      %swap3A_487 = vector.shape_cast %swap3A_486 : vector<1x16xf32> to vector<16xf32>
      %swap3A_488 = vector.shape_cast %add3A_483 : vector<16xf32> to vector<1x16xf32>
      tpu.vector_store %arg8[%swap3A_484, %swap3A_485], %swap3A_488 {strides = array<i32>} : memref<40x128xf32, #tpu.memory_space<vmem>>, vector<1x16xf32>,
      %add3A_489 = arith.constant 40 : i32
      %add3A_490 = arith.addi %add3A_489, %add3A_350 : i32
      %get3A_491 = arith.constant 0 : i32
      %get3A_492 = arith.index_cast %get3A_491 : i32 to index
      %get3A_493 = arith.index_cast %add3A_490 : i32 to index
      %get3A_494 = arith.constant 48 : index
      %get3A_495 = tpu.vector_load %arg6[%get3A_492, %get3A_493, %get3A_494] {strides = array<i32>} : memref<2x80x128xf32, #tpu.memory_space<vmem>>, vector<1x1x16xf32>,
      %get3A_496 = vector.shape_cast %get3A_495 : vector<1x1x16xf32> to vector<16xf32>
      %get3A_497 = arith.constant 0 : i32
      %get3A_498 = arith.index_cast %get3A_497 : i32 to index
      %get3A_499 = arith.index_cast %add3A_490 : i32 to index
      %get3A_500 = arith.constant 112 : index
      %get3A_501 = tpu.vector_load %arg7[%get3A_498, %get3A_499, %get3A_500] {strides = array<i32>} : memref<2x80x128xf32, #tpu.memory_space<vmem>>, vector<1x1x16xf32>,
      %get3A_502 = vector.shape_cast %get3A_501 : vector<1x1x16xf32> to vector<16xf32>
      %add3A_503 = arith.addf %get3A_496, %get3A_502 : vector<16xf32>
      %swap3A_504 = arith.index_cast %add3A_350 : i32 to index
      %swap3A_505 = arith.constant 112 : index
      %swap3A_506 = tpu.vector_load %arg8[%swap3A_504, %swap3A_505] {strides = array<i32>} : memref<40x128xf32, #tpu.memory_space<vmem>>, vector<1x16xf32>,
      %swap3A_507 = vector.shape_cast %swap3A_506 : vector<1x16xf32> to vector<16xf32>
      %swap3A_508 = vector.shape_cast %add3A_503 : vector<16xf32> to vector<1x16xf32>
      tpu.vector_store %arg8[%swap3A_504, %swap3A_505], %swap3A_508 {strides = array<i32>} : memref<40x128xf32, #tpu.memory_space<vmem>>, vector<1x16xf32>,
    }
    %scan3A_331 = arith.constant 40 : i32
    %add3A_332 = arith.constant 124 : i32
    %add3A_333 = arith.addi %mul3A_2, %add3A_332 : i32
    %mul3A_334 = arith.constant 40 : i32
    %mul3A_335 = arith.muli %add3A_333, %mul3A_334 : i32
    %dma_start3A_336 = arith.constant 0 : i32
    %dma_start3A_337 = tpu.memref_slice %arg4[%mul3A_335, %dma_start3A_336] : memref<160000x128xf32, #tpu.memory_space<hbm>> -> memref<40x128xf32, #tpu.memory_space<hbm>>
    %dma_start3A_338 = arith.constant 0 : i32
    %dma_start3A_339 = tpu.memref_slice %arg4[%mul3A_335, %dma_start3A_338] : memref<160000x128xf32, #tpu.memory_space<hbm>> -> memref<40x128xf32, #tpu.memory_space<hbm>>
    tpu.enqueue_dma source(%arg8 : memref<40x128xf32, #tpu.memory_space<vmem>>) target(%dma_start3A_339 : memref<40x128xf32, #tpu.memory_space<hbm>>) target_semaphore(%arg14 : memref<!tpu.dma_semaphore, #tpu.memory_space<semaphore_mem>>)
    %dma_wait3A_340 = arith.constant 0 : i32
    %dma_wait3A_341 = arith.constant 0 : i32
    %dma_wait3A_342 = tpu.memref_slice %arg4[%dma_wait3A_340, %dma_wait3A_341] : memref<160000x128xf32, #tpu.memory_space<hbm>> -> memref<40x128xf32, #tpu.memory_space<hbm>>
    %dma_wait3A_343 = arith.constant 0 : i32
    %dma_wait3A_344 = arith.constant 0 : i32
    %dma_wait3A_345 = tpu.memref_slice %arg4[%dma_wait3A_343, %dma_wait3A_344] : memref<160000x128xf32, #tpu.memory_space<hbm>> -> memref<40x128xf32, #tpu.memory_space<hbm>>
    tpu.wait_dma2 semaphore(%arg14 : memref<!tpu.dma_semaphore, #tpu.memory_space<semaphore_mem>>) src(%arg8 : memref<40x128xf32, #tpu.memory_space<vmem>>) dst(%dma_wait3A_345 : memref<40x128xf32, #tpu.memory_space<hbm>>)
    return
  }
}

module attributes {stable_mosaic.version = 14 : i64} {
  func.func @_node_tables_body(%arg0: memref<10000x128xf32, #tpu.memory_space<vmem>>, %arg1: memref<128x128xf32, #tpu.memory_space<vmem>>, %arg2: memref<128x64xf32, #tpu.memory_space<vmem>>, %arg3: memref<1x128xf32, #tpu.memory_space<vmem>>, %arg4: memref<1x64xf32, #tpu.memory_space<vmem>>, %arg5: memref<10000x128xf32, #tpu.memory_space<vmem>>, %arg6: memref<1x64xf32, #tpu.memory_space<vmem>>) attributes {dimension_semantics = [], scalar_prefetch = 0 : i64, scratch_operands = 0 : i64, tpu.core_type = #tpu.core_type<tc>} {
    %get3A = arith.constant 0 : index
    %get3A_0 = arith.constant 0 : index
    %get3A_1 = vector.load %arg0[%get3A, %get3A_0] : memref<10000x128xf32, #tpu.memory_space<vmem>>, vector<10000x128xf32>
    %get3A_2 = arith.constant 0 : index
    %get3A_3 = arith.constant 0 : index
    %get3A_4 = vector.load %arg1[%get3A_2, %get3A_3] : memref<128x128xf32, #tpu.memory_space<vmem>>, vector<128x128xf32>
    %dot_general3A = arith.constant dense<0.000000e+00> : vector<10000x128xf32>
    %dot_general3A_5 = tpu.matmul %get3A_1, %get3A_4, %dot_general3A {dimension_numbers = #tpu.dot_dimension_numbers<[1], [0], [0], [1], [0, 0, 1, 1], [], []>, transpose_lhs_hint = false} : vector<10000x128xf32>, vector<128x128xf32>, vector<10000x128xf32> -> vector<10000x128xf32>
    %swap3A = arith.constant 0 : index
    %swap3A_6 = arith.constant 0 : index
    %swap3A_7 = vector.load %arg5[%swap3A, %swap3A_6] : memref<10000x128xf32, #tpu.memory_space<vmem>>, vector<10000x128xf32>
    tpu.vector_store %arg5[%swap3A, %swap3A_6], %dot_general3A_5 {strides = array<i32>} : memref<10000x128xf32, #tpu.memory_space<vmem>>, vector<10000x128xf32>,
    %get3A_8 = arith.constant 0 : index
    %get3A_9 = arith.constant 0 : index
    %get3A_10 = vector.load %arg3[%get3A_8, %get3A_9] : memref<1x128xf32, #tpu.memory_space<vmem>>, vector<1x128xf32>
    %get3A_11 = arith.constant 0 : index
    %get3A_12 = arith.constant 0 : index
    %get3A_13 = vector.load %arg2[%get3A_11, %get3A_12] : memref<128x64xf32, #tpu.memory_space<vmem>>, vector<128x64xf32>
    %dot_general3A_14 = arith.constant dense<0.000000e+00> : vector<1x64xf32>
    %dot_general3A_15 = tpu.matmul %get3A_10, %get3A_13, %dot_general3A_14 {dimension_numbers = #tpu.dot_dimension_numbers<[1], [0], [0], [1], [0, 0, 1, 1], [], []>, transpose_lhs_hint = false} : vector<1x128xf32>, vector<128x64xf32>, vector<1x64xf32> -> vector<1x64xf32>
    %get3A_16 = arith.constant 0 : index
    %get3A_17 = arith.constant 0 : index
    %get3A_18 = vector.load %arg4[%get3A_16, %get3A_17] : memref<1x64xf32, #tpu.memory_space<vmem>>, vector<1x64xf32>
    %add3A = arith.addf %dot_general3A_15, %get3A_18 : vector<1x64xf32>
    %swap3A_19 = arith.constant 0 : index
    %swap3A_20 = arith.constant 0 : index
    %swap3A_21 = vector.load %arg6[%swap3A_19, %swap3A_20] : memref<1x64xf32, #tpu.memory_space<vmem>>, vector<1x64xf32>
    tpu.vector_store %arg6[%swap3A_19, %swap3A_20], %add3A {strides = array<i32>} : memref<1x64xf32, #tpu.memory_space<vmem>>, vector<1x64xf32>,
    return
  }
}

module attributes {stable_mosaic.version = 14 : i64} {
  func.func @_mlp_body(%arg0: i32, %arg1: memref<3200x128xf32, #tpu.memory_space<vmem>>, %arg2: memref<1x128xf32, #tpu.memory_space<vmem>>, %arg3: memref<128x40xf32, #tpu.memory_space<vmem>>, %arg4: memref<1x40xf32, #tpu.memory_space<vmem>>, %arg5: memref<2x40xf32, #tpu.memory_space<vmem>>, %arg6: memref<2x1xf32, #tpu.memory_space<vmem>>, %arg7: memref<2x3200xf32, #tpu.memory_space<vmem>>) attributes {dimension_semantics = [#tpu.dimension_semantics<arbitrary>], iteration_bounds = array<i64: 50>, scalar_prefetch = 0 : i64, scratch_operands = 0 : i64, tpu.core_type = #tpu.core_type<tc>, window_params = [{transform_indices = @transform_0, window_bounds = array<i64: 3200, 128>}, {pipeline_mode = #tpu.pipeline_mode<synchronous>, transform_indices = @transform_1, window_bounds = array<i64: 1, 128>}, {pipeline_mode = #tpu.pipeline_mode<synchronous>, transform_indices = @transform_2, window_bounds = array<i64: 128, 40>}, {pipeline_mode = #tpu.pipeline_mode<synchronous>, transform_indices = @transform_3, window_bounds = array<i64: 1, 40>}, {pipeline_mode = #tpu.pipeline_mode<synchronous>, transform_indices = @transform_4, window_bounds = array<i64: 2, 40>}, {pipeline_mode = #tpu.pipeline_mode<synchronous>, transform_indices = @transform_5, window_bounds = array<i64: 2, 1>}, {transform_indices = @transform_6, window_bounds = array<i64: 2, 3200>}]} {
    %get3A = arith.constant 0 : index
    %get3A_0 = arith.constant 0 : index
    %get3A_1 = vector.load %arg1[%get3A, %get3A_0] : memref<3200x128xf32, #tpu.memory_space<vmem>>, vector<3200x128xf32>
    %get3A_2 = arith.constant 0 : index
    %get3A_3 = arith.constant 0 : index
    %get3A_4 = vector.load %arg2[%get3A_2, %get3A_3] : memref<1x128xf32, #tpu.memory_space<vmem>>, vector<1x128xf32>
    %add3A = vector.broadcast %get3A_4 : vector<1x128xf32> to vector<3200x128xf32>
    %add3A_5 = arith.addf %get3A_1, %add3A : vector<3200x128xf32>
    %max3A = arith.constant 0.000000e+00 : f32
    %max3A_6 = vector.broadcast %max3A : f32 to vector<3200x128xf32>
    %max3A_7 = arith.maximumf %add3A_5, %max3A_6 : vector<3200x128xf32>
    %get3A_8 = arith.constant 0 : index
    %get3A_9 = arith.constant 0 : index
    %get3A_10 = vector.load %arg3[%get3A_8, %get3A_9] : memref<128x40xf32, #tpu.memory_space<vmem>>, vector<128x40xf32>
    %dot_general3A = arith.constant dense<0.000000e+00> : vector<3200x40xf32>
    %dot_general3A_11 = tpu.matmul %max3A_7, %get3A_10, %dot_general3A {dimension_numbers = #tpu.dot_dimension_numbers<[1], [0], [0], [1], [0, 0, 1, 1], [], []>, transpose_lhs_hint = false} : vector<3200x128xf32>, vector<128x40xf32>, vector<3200x40xf32> -> vector<3200x40xf32>
    %get3A_12 = arith.constant 0 : index
    %get3A_13 = arith.constant 0 : index
    %get3A_14 = vector.load %arg4[%get3A_12, %get3A_13] : memref<1x40xf32, #tpu.memory_space<vmem>>, vector<1x40xf32>
    %add3A_15 = vector.broadcast %get3A_14 : vector<1x40xf32> to vector<3200x40xf32>
    %add3A_16 = arith.addf %dot_general3A_11, %add3A_15 : vector<3200x40xf32>
    %max3A_17 = arith.constant 0.000000e+00 : f32
    %max3A_18 = vector.broadcast %max3A_17 : f32 to vector<3200x40xf32>
    %max3A_19 = arith.maximumf %add3A_16, %max3A_18 : vector<3200x40xf32>
    %get3A_20 = arith.constant 0 : index
    %get3A_21 = arith.constant 0 : index
    %get3A_22 = vector.load %arg5[%get3A_20, %get3A_21] : memref<2x40xf32, #tpu.memory_space<vmem>>, vector<2x40xf32>
    %dot_general3A_23 = arith.constant dense<0.000000e+00> : vector<2x3200xf32>
    %dot_general3A_24 = tpu.matmul %get3A_22, %max3A_19, %dot_general3A_23 {dimension_numbers = #tpu.dot_dimension_numbers<[1], [1], [0], [0], [0, 0, 1, 0], [], []>, transpose_lhs_hint = false} : vector<2x40xf32>, vector<3200x40xf32>, vector<2x3200xf32> -> vector<2x3200xf32>
    %get3A_25 = arith.constant 0 : index
    %get3A_26 = arith.constant 0 : index
    %get3A_27 = vector.load %arg6[%get3A_25, %get3A_26] : memref<2x1xf32, #tpu.memory_space<vmem>>, vector<2x1xf32>
    %add3A_28 = vector.broadcast %get3A_27 : vector<2x1xf32> to vector<2x3200xf32>
    %add3A_29 = arith.addf %dot_general3A_24, %add3A_28 : vector<2x3200xf32>
    %logistic3A = arith.negf %add3A_29 : vector<2x3200xf32>
    %logistic3A_30 = math.exp %logistic3A : vector<2x3200xf32>
    %logistic3A_31 = arith.constant 1.000000e+00 : f32
    %logistic3A_32 = vector.broadcast %logistic3A_31 : f32 to vector<2x3200xf32>
    %logistic3A_33 = arith.addf %logistic3A_32, %logistic3A_30 : vector<2x3200xf32>
    %logistic3A_34 = arith.divf %logistic3A_32, %logistic3A_33 : vector<2x3200xf32>
    %swap3A = arith.constant 0 : index
    %swap3A_35 = arith.constant 0 : index
    %swap3A_36 = vector.load %arg7[%swap3A, %swap3A_35] : memref<2x3200xf32, #tpu.memory_space<vmem>>, vector<2x3200xf32>
    tpu.vector_store %arg7[%swap3A, %swap3A_35], %logistic3A_34 {strides = array<i32>} : memref<2x3200xf32, #tpu.memory_space<vmem>>, vector<2x3200xf32>,
    return
  }
  func.func @transform_0(%arg0: i32) -> (i32, i32) {
    %c0_i32 = arith.constant 0 : i32
    %c0_i32_0 = arith.constant 0 : i32
    return %arg0, %c0_i32 : i32, i32
  }
  func.func @transform_1(%arg0: i32) -> (i32, i32) {
    %c0_i32 = arith.constant 0 : i32
    %c0_i32_0 = arith.constant 0 : i32
    %c0_i32_1 = arith.constant 0 : i32
    return %c0_i32, %c0_i32_0 : i32, i32
  }
  func.func @transform_2(%arg0: i32) -> (i32, i32) {
    %c0_i32 = arith.constant 0 : i32
    %c0_i32_0 = arith.constant 0 : i32
    %c0_i32_1 = arith.constant 0 : i32
    return %c0_i32, %c0_i32_0 : i32, i32
  }
  func.func @transform_3(%arg0: i32) -> (i32, i32) {
    %c0_i32 = arith.constant 0 : i32
    %c0_i32_0 = arith.constant 0 : i32
    %c0_i32_1 = arith.constant 0 : i32
    return %c0_i32, %c0_i32_0 : i32, i32
  }
  func.func @transform_4(%arg0: i32) -> (i32, i32) {
    %c0_i32 = arith.constant 0 : i32
    %c0_i32_0 = arith.constant 0 : i32
    %c0_i32_1 = arith.constant 0 : i32
    return %c0_i32, %c0_i32_0 : i32, i32
  }
  func.func @transform_5(%arg0: i32) -> (i32, i32) {
    %c0_i32 = arith.constant 0 : i32
    %c0_i32_0 = arith.constant 0 : i32
    %c0_i32_1 = arith.constant 0 : i32
    return %c0_i32, %c0_i32_0 : i32, i32
  }
  func.func @transform_6(%arg0: i32) -> (i32, i32) {
    %c0_i32 = arith.constant 0 : i32
    %c0_i32_0 = arith.constant 0 : i32
    return %c0_i32, %arg0 : i32, i32
  }
}

</mosaic_0001>

<sc_bundles>
// kernel: kernel.5.cloned.1.call-start
scs
__scs_entry_jumppad:
0x0: {  	(pc) =	sbr.rel $0x88, $3  }
0x1: {  	(tag) =	ssettag $0x0;
	lr =	simm.s32 $0x1  }
0x2: {  	[smem:$0x3F98] =	sst lr;
	_ =	strace $0xD0000000  }
0x3: {  	_ = 	snop  }
0x4: {  	_ = 	snop  }
0x5: {  	_ = 	snop  }
0x6: {  	_ = 	snop  }
0x7: {  	_ = 	snop  }
__scs_overlays_trampoline_lowered:
0x8: {  	[smem:$0x3FA7] =	sst s0  }
0x9: {  	[smem:$0x3FA8] =	sst s1  }
0xa: {  	[smem:$0x3FA9] =	sst s2  }
0xb: {  	[smem:$0x3FAA] =	sst s3  }
0xc: {  	[smem:$0x3FAB] =	sst s4  }
0xd: {  	[smem:$0x3FAC] =	sst s5  }
0xe: {  	[smem:$0x3FAD] =	sst s6  }
0xf: {  	[smem:$0x3FAE] =	sst s7  }
0x10: {  	[smem:$0x3FAF] =	sst s8  }
0x11: {  	[smem:$0x3FB0] =	sst s9;
	s0 =	simm.s32 @!p0 $0x0  }
0x12: {  	s1 =	sld [smem:$0x3F96];
	s0 =	simm.s32 @p0 $0x1  }
0x13: {  	[smem:$0x3FB1] =	sst s0;
	s0 =	simm.s32 @!p1 $0x0  }
0x14: {  	s2 =	sld [smem:$0x3F95];
	s0 =	simm.s32 @p1 $0x1  }
0x15: {  	[smem:$0x3FB2] =	sst s0;
	s0 =	simm.s32 @!p2 $0x0  }
0x16: {  	s3 =	sld [smem:$0x3FDB];
	s0 =	simm.s32 @p2 $0x1  }
0x17: {  	s4 =	simm.s32 $0x1BF5;
	[smem:$0x3FB4] =	sst s0  }
0x18: {  	s0 =	sld [smem:$0x3F97];
	_ =	swait.ge [sflag:s4], $0x0  }
0x19: {  	s7 =	sld [smem:$0x3F98]  }
0x1a: {  	s8 =	sadd.s32 $0xFFFFE003, lr  }
0x1b: {  	s9 =	sadd.s32 $0xFFFFFEF7, lr;
	s5 =	simm.s32 $0xFFFFFFFF;
	p2 =	slt.u32 s8, $0xFFFFF086  }
0x1c: {  	p1 =	slt.u32 s9, $0xF7A;
	s5 =	simm.s32 @!p2 $0x0  }
0x1d: {  	s5 =	simm.s32 @p1 $0x1;
	p0 =	seq.s32 s7, s2  }
0x1e: {  	s7 =	smul.u32 @!p0 $0xF7A, s2;
	p2 =	seq.s32 @!p0 s5, $0x0  }
0x1f: {  	s9 =	smul.u32 $0xF7A, s1;
	s8 =	simm.s32 @!p0 $0x1BF5;
	p2 =	por !p2, p0  }
0x20: {  	[sflag:s8] =	ssyncset.s32 @!p0 $0xFFFFF086;
	s6 =	sadd.s32 @!p0 s3, s7;
	s7 =	simm.s32 @!p0 $0x108  }
0x21: {  	s3 =	sadd.s32 s3, s9;
	s6 =	sadd.s32 @!p0 $0x88, s6;
	s7 =	simm.s32 @p2 $0x1082  }
0x22: {  	[simem:s7], [sflag:s8] =	dma.local @!p0 [hbm:s6], $0xF7A  }
0x23: {  	s9 =	sor.u32 $0xD0000000, s2;
	s6 =	simm.s32 $0x108;
	_ =	swait.ge @!p0 [sflag:s8], $0x0  }
0x24: {  	s3 =	sadd.s32 $0x88, s3;
	s6 =	simm.s32 @!p1 $0x1082;
	[sflag:s4] =	ssyncset.s32 $0xFFFFF086  }
0x25: {  	[simem:s6], [sflag:s4] =	dma.local [hbm:s3], $0xF7A  }
0x26: {  	[smem:$0x3F98] =	sst s1;
	(tag) =	ssettag s2;
	_ =	strace s9  }
0x27: {  	s1 =	sld [smem:$0x3FA8]  }
0x28: {  	s2 =	sld [smem:$0x3FA9]  }
0x29: {  	s4 =	sld [smem:$0x3FAB]  }
0x2a: {  	p0 =	seq.s32 s5, $0x0;
	s5 =	sld [smem:$0x3FAC]  }
0x2b: {  	s6 =	sld [smem:$0x3FAD]  }
0x2c: {  	s7 =	sld [smem:$0x3FAE]  }
0x2d: {  	s3 =	simm.s32 $0x108;
	s8 =	sld [smem:$0x3FAF]  }
0x2e: {  	s3 =	simm.s32 @!p0 $0x1082;
	s9 =	sld [smem:$0x3FB0]  }
0x2f: {  	lr =	sadd.s32 s0, s3;
	s0 =	sld [smem:$0x3FA7]  }
0x30: {  	s3 =	sld [smem:$0x3FAA]  }
0x31: {  	[smem:$0x3FB3] =	sst s10  }
0x32: {  	s10 =	sld [smem:$0x3FB1];
	_ =	sdelay $0x3  }
0x33: {  	p0 =	seq.s32 s10, $0x1;
	s10 =	sld [smem:$0x3FB3];
	_ =	sdelay $0x3  }
0x34: {  	[smem:$0x3FB3] =	sst s10  }
0x35: {  	s10 =	sld [smem:$0x3FB2];
	_ =	sdelay $0x3  }
0x36: {  	p1 =	seq.s32 s10, $0x1;
	s10 =	sld [smem:$0x3FB3];
	_ =	sdelay $0x3  }
0x37: {  	[smem:$0x3FB3] =	sst s10  }
0x38: {  	s10 =	sld [smem:$0x3FB4]  }
0x39: {  	_ = 	snop;
	(pc) =	sbr.ind lr, $3  }
0x3a: {  	_ = 	snop  }
0x3b: {  	_ = 	snop  }
0x3c: {  	p2 =	seq.s32 s10, $0x1;
	s10 =	sld [smem:$0x3FB3]  }
0x3d: {  	_ =	shalt  }
0x3e: {  	_ =	shalt  }
0x3f: {  	_ =	shalt  }
0x40: {  	_ =	shalt  }
0x41: {  	_ =	shalt  }
0x42: {  	_ =	shalt  }
0x43: {  	_ =	shalt  }
0x44: {  	_ =	shalt  }
0x45: {  	_ =	shalt  }
0x46: {  	_ =	shalt  }
0x47: {  	_ =	shalt  }
0x48: {  	_ =	shalt  }
0x49: {  	_ =	shalt  }
0x4a: {  	_ =	shalt  }
0x4b: {  	_ =	shalt  }
0x4c: {  	_ =	shalt  }
0x4d: {  	_ =	shalt  }
0x4e: {  	_ =	shalt  }
0x4f: {  	_ =	shalt  }
0x50: {  	_ =	shalt  }
0x51: {  	_ =	shalt  }
0x52: {  	_ =	shalt  }
0x53: {  	_ =	shalt  }
0x54: {  	_ =	shalt  }
0x55: {  	_ =	shalt  }
0x56: {  	_ =	shalt  }
0x57: {  	_ =	shalt  }
0x58: {  	_ =	shalt  }
0x59: {  	_ =	shalt  }
0x5a: {  	_ =	shalt  }
0x5b: {  	_ =	shalt  }
0x5c: {  	_ =	shalt  }
0x5d: {  	_ =	shalt  }
0x5e: {  	_ =	shalt  }
0x5f: {  	_ =	shalt  }
0x60: {  	_ =	shalt  }
0x61: {  	_ =	shalt  }
0x62: {  	_ =	shalt  }
0x63: {  	_ =	shalt  }
0x64: {  	_ =	shalt  }
0x65: {  	_ =	shalt  }
0x66: {  	_ =	shalt  }
0x67: {  	_ =	shalt  }
0x68: {  	_ =	shalt  }
0x69: {  	_ =	shalt  }
0x6a: {  	_ =	shalt  }
0x6b: {  	_ =	shalt  }
0x6c: {  	_ =	shalt  }
0x6d: {  	_ =	shalt  }
0x6e: {  	_ =	shalt  }
0x6f: {  	_ =	shalt  }
0x70: {  	_ =	shalt  }
0x71: {  	_ =	shalt  }
0x72: {  	_ =	shalt  }
0x73: {  	_ =	shalt  }
0x74: {  	_ =	shalt  }
0x75: {  	_ =	shalt  }
0x76: {  	_ =	shalt  }
0x77: {  	_ =	shalt  }
0x78: {  	_ =	shalt  }
0x79: {  	_ =	shalt  }
0x7a: {  	_ =	shalt  }
0x7b: {  	_ =	shalt  }
0x7c: {  	_ =	shalt  }
0x7d: {  	_ =	shalt  }
0x7e: {  	_ =	shalt  }
0x7f: {  	_ =	shalt  }
0x80: {  	_ =	shalt  }
0x81: {  	_ =	shalt  }
0x82: {  	_ =	shalt  }
0x83: {  	_ =	shalt  }
0x84: {  	_ =	shalt  }
0x85: {  	_ =	shalt  }
0x86: {  	_ =	shalt  }
0x87: {  	_ =	shalt  }
.Lfunc_end0:
.L_simem_size_0:
called_computation_lowered:
.L_overlay_start_0:
0x88: {  	s2 =	sld [smem:$0x3FD9]  }
0x89: {  	s3 =	sld [smem:$0x3FFE];
	_ =	sdelay $0x1  }
0x8a: {  	s1 =	srdreg.scid  }
0x8b: {  	s0 =	sand.u32 $0x1, s1  }
0x8c: {  	s16 =	sshll.u32 s0, $0xA;
	s2 =	sadd.s32 s3, s2  }
0x8d: {  	s2 =	sadd.s32 s2, s16  }
0x8e: {  	[smem:$0x3FBF] =	sst s2  }
0x8f: {  	_ = 	snop  }
0x90: {  	(tm) =	ssettm $0x1  }
0x91: {  	s17 =	sld [smem:$0x3FFB];
	_ =	sdelay $0x3  }
0x92: {  	_ =	strace s17  }
0x93: {  	s2 =	sld [smem:$0x3FFC];
	_ =	sdelay $0x3  }
0x94: {  	_ =	strace s2  }
0x95: {  	s2 =	sld [smem:$0x3FFD];
	_ =	sdelay $0x3  }
0x96: {  	_ =	strace s2  }
0x97: {  	_ =	strace $0x8FFFFFFF  }
0x98: {  	s18 =	sld [smem:$0x3FDB];
	_ =	sdelay $0x1  }
0x99: {  	s19 =	simm.s32 $_scs_section_size  }
0x9a: {  	s4 =	simm.s32 $_size__tile_overlayer_lowered;
	s5 =	simm.s32 $_tile_overlayer_lowered  }
0x9b: {  	s22 =	simm.s32 $0x1BFF;
	s21 =	sshll.u32 s5, $0x1;
	s2 =	sadd.s32 s19, s18  }
0x9c: {  	s6 =	simm.s32 $0x0;
	s20 =	sshll.u32 s4, $0x1;
	s4 =	sadd.s32 s21, s2  }
0x9d: {  	[timem:s6], [sflag:s22] =	dma.local [hbm:s4], s20  }
0x9e: {  	_ =	swait.ge [sflag:s22], s20  }
0x9f: {  	s3 =	ssub.s32 $0x0, s20;
	[sflag:s22] =	ssyncset.done $0x0  }
0xa0: {  	[sflag:s22] =	ssyncadd.s32 s3;
	_ =	sdelay $0x1  }
0xa1: {  	s23 =	simm.s32 $0x1B8B  }
0xa2: {  	_ =	swait.ge [sflag:s23], $0x1  }
0xa3: {  	[sflag:s23] =	ssyncset.done $0x0  }
0xa4: {  	s25 =	simm.s32 $0x1B8E;
	s24 =	sld [smem:$0x3FFE];
	[sflag:s23] =	ssyncadd.s32 $0xFFFFFFFF  }
0xa5: {  	s26 =	simm.s32 $execute0_lowered;
	[smem:$0x3FD2] =	sst s25  }
0xa6: {  	s4 =	sshll.u32 s26, $0x1;
	_ =	strace $0x80000046;
	[dreg:$0x1] =	wrdreg $0xFFFFFFFF  }
0xa7: {  	s28 =	simm.s32 $_size_execute0_lowered;
	s2 =	sadd.s32 s2, s4;
	[dreg:$0x0] =	wrdreg $0x0  }
0xa8: {  	s4 =	sshll.u32 s28, $0x1;
	[dreg:$0x2] =	wrdreg s2  }
0xa9: {  	[dreg:$0x3] =	wrdreg s4  }
0xaa: {  	[dreg:$0x4] =	wrdreg $0xC0  }
0xab: {  	_ =	task [dreg:s6], $0x5FFFF  }
0xac: {  	[dreg:$0x1] =	wrdreg $0xFFFFFFFF  }
0xad: {  	[dreg:$0x0] =	wrdreg $0x60  }
0xae: {  	[dreg:$0x2] =	wrdreg s24  }
0xaf: {  	[dreg:$0x3] =	wrdreg $0xB6000  }
0xb0: {  	[dreg:$0x4] =	wrdreg $0x9  }
0xb1: {  	_ =	task.clear_ibuf [dreg:s6], $0x5FFFF;
	_ =	strace $0x90000046  }
0xb2: {  	s29 =	simm.s32 $0x9;
	_ =	strace $0x80000048  }
0xb3: {  	_ =	swait.ge [sflag:s29], $0x1  }
0xb4: {  	[sflag:s29] =	ssyncadd.s32 $0xFFFFFFFF  }
0xb5: {  	_ =	strace $0x90000048  }
0xb6: {  	_ =	sfence  }
0xb7: {  	s30 =	sld [smem:$0x0];
	_ =	sdelay $0x2  }
0xb8: {  	s31 =	sshll.u32 s1, $0xD;
	s1 =	sshrl.u32 s1, $0x2  }
0xb9: {  	s3 =	sand.u32 $0x4000, s31;
	s1 =	sadd.s32 s1, s30  }
0xba: {  	s0 =	sor.u32 s3, s0;
	s1 =	sshll.u32 s1, $0x11  }
0xbb: {  	s0 =	sor.u32 s1, s0  }
0xbc: {  	s0 =	sadd.s32 $0x8F2B, s0  }
0xbd: {  	[sflag:s0] =	ssyncadd.remote.s32 $0x1  }
0xbe: {  	_ =	sfence.sel $0xFFFF  }
0xbf: {  	[dreg:$0x0] =	wrdreg $0xFFFFFFFF;
	(pc) =	sbr.abs _section_cstart, $3  }
0xc0: {  	[dreg:$0x1] =	wrdreg $0xFFFFFFFF  }
0xc1: {  	_ =	task.clear_ibuf [dreg:s6], $0x2FFFF;
	_ =	strace $0x9FFFFFFF  }
0xc2: {  	(tm) =	ssettm $0x7FFFFFFF  }
0xc3: {  	_ =	shalt  }
tec
execute0_lowered:
.L_overlay_start_1:
0x0: {  	(tag) =	ssettag $0x1  }
0x1: {  	s0 =	rddreg [dreg:$0x0]  }
0x2: {  	s2 =	rddreg [dreg:$0x1];
	s3 =	simm.s32 $0x0;
	s13 =	stileid.u32  }
0x3: {  	s5 =	srdreg.scid;
	s28 =	simm.s32 $0x7;
	s29 =	simm.s32 $0x2A00  }
0x4: {  	s30 =	simm.s32 $0x180;
	s31 =	simm.s32 $0x7A00;
	s14 =	simm.s32 $0x0  }
0x5: {  	s1 =	smul.u32 $0x3E80, s13;
	s6 =	sand.u32 $0x1, s5;
	s8 =	sshll.u32 s13, $0x1  }
0x6: {  	[smem:$0x7FF] =	sst s3;
	s9 =	smul.u32 $0x7D000, s13;
	s10 =	sor.u32 s6, s8  }
0x7: {  	s4 =	sadd.s32 $0x600, s0;
	s5 =	sadd.s32 $0x46C00, s0;
	s20 =	smul.u32 $0x7D00, s10  }
0x8: {  	p0 =	sgt.u32 s13, $0x9;
	s7 =	ssub.s32 $0x2, s6;
	s6 =	smul.u32 $0x7D, s10  }
0x9: {  	_ =	strace $0x80000047;
	s1 =	sadd.s32 s1, s0;
	s11 =	smul.u32 $0x13880, s10  }
0xa: {  	s18 =	sshrl.u32 s7, $0x1;
	s19 =	sshrl.u32 s9, $0x2;
	s10 =	smul.u32 $0x9C400, s10  }
0xb: {  	s0 =	ssub.s32 s7, s18;
	s7 =	sadd.s32 s19, s2;
	s1 =	sadd.s32 $0x1FA00, s1  }
0xc: {  	[dreg:$0x3] =	wrdreg s1;
	s21 =	sshrl.u32 s20, $0x3;
	s8 =	sadd.s32 $0x200, s20  }
0xd: {  	s23 =	sadd.s32 s5, s11;
	s25 =	sshrl.u32 s10, $0x3;
	s16 =	sadd.s32 $0x1, s6  }
0xe: {  	s0 =	smax.u32 s0, $0x1;
	s10 =	simm.s32 $0x2;
	s11 =	simm.s32 $0x4  }
0xf: {  	s12 =	sadd.s32 s4, s21;
	s22 =	sshrl.u32 s8, $0x3;
	[dreg:$0x7] =	wrdreg s23  }
0x10: {  	s26 =	sadd.s32 s5, s25;
	[dreg:$0xb] =	wrdreg s0;
	s21 =	simm.s32 $0x100  }
0x11: {  	s23 =	simm.s32 $0x50;
	[dreg:$0x4] =	wrdreg s12;
	s12 =	sadd.s32 $0x20, s12  }
0x12: {  	s25 =	simm.s32 $0x80;
	s1 =	sadd.s32 s4, s22;
	[dreg:$0x5] =	wrdreg s12  }
0x13: {  	s9 =	sadd.s32 $0x280, s26;
	s22 =	simm.s32 $0x6;
	[dreg:$0x6] =	wrdreg s1  }
0x14: {  	s12 =	sadd.s32 $0x300, s20;
	[dreg:$0x9] =	wrdreg s9;
	s9 =	sshll.u32 @!p0 s13, $0x6  }
0x15: {  	s13 =	simm.s32 $0x5;
	s24 =	sshrl.u32 s12, $0x3;
	s0 =	sor.u32 @!p0 $0x1C08, s9  }
0x16: {  	s1 =	sadd.s32 s4, s24;
	[dreg:$0xc] =	wrdreg s0;
	s0 =	sshrl.u32 @!p0 s7, $0x3  }
0x17: {  	s24 =	simm.s32 $0x200;
	s7 =	simm.s32 $0xA200;
	[dreg:$0x8] =	wrdreg s1  }
0x18: {  	s1 =	sadd.s32 $0x13600, s26;
	[dreg:$0xd] =	wrdreg s0;
	s26 =	simm.s32 $0x5200  }
0x19: {  	s0 =	simm.s32 $0x1;
	[dreg:$0xa] =	wrdreg s1;
	s1 =	simm.s32 $0x3  }
.LBB2_1:
0x1a: {  	[dreg:$0xe] =	wrdreg s14  }
0x1b: {  	s9 =	rddreg [dreg:$0x3]  }
0x1c: {  	s14 =	rddreg [dreg:$0xc]  }
0x1d: {  	s15 =	rddreg [dreg:$0xd]  }
0x1e: {  	[spmem:s15], [sflag:s14] =	dma.local @!p0 [hbm:s9], $0x3E80  }
0x1f: {  	s9 =	simm.s32 @!p0 $0x8  }
0x20: {  	_ =	swait.ge @!p0 [sflag:s9], $0x3E80  }
0x21: {  	[sflag:s9] =	ssyncset.done @!p0 $0x0  }
0x22: {  	[sflag:s9] =	ssyncadd.s32 @!p0 $0xFFFFC180  }
0x23: {  	[bflag:$0x0] =	sbarrier.arrive $0xFFFF  }
0x24: {  	s18 =	rddreg [dreg:$0x4]  }
0x25: {  	[tilespmem:s3], [sflag:$0x6] =	stream.linear.gather [hbm4b:s18+s3], $0x100, $0x38;
	[tilespmem:$0x1EE80] =	vst v63  }
0x26: {  	s19 =	rddreg [dreg:$0x5]  }
0x27: {  	[tilespmem:s21], [sflag:$0x7] =	stream.linear.gather [hbm4b:s19+s3], $0x100, $0x38;
	[tilespmem:$0x1EE80] =	vst v63  }
0x28: {  	_ =	swait.ge [sflag:s22], $0x100  }
0x29: {  	[sflag:s22] =	ssyncset.done $0x0  }
0x2a: {  	[sflag:s22] =	ssyncadd.s32 $0xFFFFFF00  }
0x2b: {  	[tilespmem:s24], [sflag:$0x1] =	stream.indirect.gather [spmem:s2], $0x80, s3, s23, $0xb8;
	[tilespmem:$0x1EE80] =	vst v63  }
0x2c: {  	_ = 	snop  }
0x2d: {  	[tilespmem:s26], [sflag:$0x3] =	stream.indirect.gather [spmem:s2], $0x80, s25, s23, $0xb8;
	[tilespmem:$0x1EE80] =	vst v63  }
0x2e: {  	_ =	swait.ge [sflag:s28], $0x100  }
0x2f: {  	[sflag:s28] =	ssyncset.done $0x0  }
0x30: {  	[sflag:s28] =	ssyncadd.s32 $0xFFFFFF00  }
0x31: {  	[tilespmem:s29], [sflag:$0x2] =	stream.indirect.gather [spmem:s2], $0x80, s21, s23, $0xb8;
	[tilespmem:$0x1EE80] =	vst v63  }
0x32: {  	_ = 	snop  }
0x33: {  	[tilespmem:s31], [sflag:$0x4] =	stream.indirect.gather [spmem:s2], $0x80, s30, s23, $0xb8;
	[tilespmem:$0x1EE80] =	vst v63  }
0x34: {  	_ =	swait.ge [sflag:s0], $0x2800  }
0x35: {  	[sflag:s0] =	ssyncset.done $0x0  }
0x36: {  	[sflag:s0] =	ssyncadd.s32 $0xFFFFD800  }
0x37: {  	_ =	swait.ge [sflag:s1], $0x2800  }
0x38: {  	[sflag:s1] =	ssyncset.done $0x0  }
0x39: {  	s15 =	simm.s32 $0x0;
	s20 =	rddreg [dreg:$0x6];
	[sflag:s1] =	ssyncadd.s32 $0xFFFFD800  }
0x3a: {  	[tilespmem:s3], [sflag:$0x6] =	stream.linear.gather [hbm4b:s20+s3], $0x100, $0x38;
	[tilespmem:$0x1EE80] =	vst v63  }
0x3b: {  	v0 =	vld [tilespmem:s15+$0x1630]  }
0x3c: {  	v1 =	vld [tilespmem:s15+$0x6670]  }
0x3d: {  	v2 =	vld [tilespmem:s15+$0x200]  }
0x3e: {  	v3 =	vld [tilespmem:s15+$0x5240]  }
0x3f: {  	v4 =	vld [tilespmem:s15+$0x210]  }
0x40: {  	v5 =	vld [tilespmem:s15+$0x5250]  }
0x41: {  	v6 =	vld [tilespmem:s15+$0x220]  }
0x42: {  	v7 =	vld [tilespmem:s15+$0x230]  }
0x43: {  	v0 =	vadd.f32 v1, v0;
	v1 =	vld [tilespmem:s15+$0x5260]  }
0x44: {  	v8 =	vld [tilespmem:s15+$0x5270]  }
0x45: {  	v9 =	vld [tilespmem:s15+$0x6640];
	v2 =	vadd.f32 v3, v2  }
0x46: {  	[tilespmem:s15+$0xA270] =	vst v0;
	v0 =	vadd.f32 v5, v4;
	v5 =	vld [tilespmem:s15+$0x1600]  }
0x47: {  	v3 =	vld [tilespmem:s15+$0x6650];
	[tilespmem:s15+$0xA200] =	vst v2  }
0x48: {  	v2 =	vld [tilespmem:s15+$0x1610];
	[tilespmem:s15+$0xA210] =	vst v0;
	v0 =	vadd.f32 v1, v6  }
0x49: {  	v4 =	vld [tilespmem:s15+$0x6660];
	v6 =	vadd.f32 v8, v7  }
0x4a: {  	s9 =	simm.s32 $0x80;
	[tilespmem:s15+$0xA220] =	vst v0;
	v0 =	vld [tilespmem:s15+$0x1620]  }
0x4b: {  	s17 =	simm.s32 $0x400;
	v5 =	vadd.f32 v9, v5;
	v1 =	vld [tilespmem:s9+$0x1630];
	[tilespmem:s15+$0xA230] =	vst v6  }
.LBB2_2:
0x4c: {  	p1 =	sne.s32 s17, $0x4E00;
	v6 =	vld [tilespmem:s9+$0x6670]  }
0x4d: {  	v7 =	vld [tilespmem:s9+$0x200];
	[tilespmem:s15+$0xA240] =	vst v5;
	v2 =	vadd.f32 v3, v2  }
0x4e: {  	v3 =	vld [tilespmem:s9+$0x5240]  }
0x4f: {  	v5 =	vld [tilespmem:s9+$0x210];
	[tilespmem:s15+$0xA250] =	vst v2;
	v0 =	vadd.f32 v4, v0  }
0x50: {  	v2 =	vld [tilespmem:s9+$0x5250]  }
0x51: {  	v4 =	vld [tilespmem:s9+$0x220];
	v1 =	vadd.f32 v6, v1;
	[tilespmem:s15+$0xA260] =	vst v0;
	s15 =	smov.u32 s9  }
0x52: {  	v0 =	vld [tilespmem:s15+$0x5260]  }
0x53: {  	v3 =	vadd.f32 v3, v7;
	v6 =	vld [tilespmem:s15+$0x230];
	[tilespmem:s15+$0xA270] =	vst v1  }
0x54: {  	v1 =	vld [tilespmem:s15+$0x5270]  }
0x55: {  	[tilespmem:s15+$0xA200] =	vst v3;
	v2 =	vadd.f32 v2, v5;
	v5 =	vld [tilespmem:s15+$0x1600]  }
0x56: {  	v7 =	vld [tilespmem:s15+$0x6640]  }
.Ltmp0:
0x57: {  	[tilespmem:s15+$0xA210] =	vst v2;
	v0 =	vadd.f32 v0, v4;
	v2 =	vld [tilespmem:s15+$0x1610];
	(pc) =	sbr.rel @p1 .LBB2_2-.Ltmp0, $4  }
0x58: {  	v3 =	vld [tilespmem:s15+$0x6650]  }
0x59: {  	[tilespmem:s15+$0xA220] =	vst v0;
	v6 =	vadd.f32 v1, v6;
	v0 =	vld [tilespmem:s15+$0x1620]  }
0x5a: {  	s9 =	sshra.s32 s17, $0x2;
	v4 =	vld [tilespmem:s15+$0x6660]  }
0x5b: {  	s17 =	sadd.s32 $0x200, s17;
	v1 =	vld [tilespmem:s9+$0x1630];
	[tilespmem:s15+$0xA230] =	vst v6;
	v5 =	vadd.f32 v7, v5  }
0x5c: {  	v6 =	vld [tilespmem:s9+$0x6670]  }
0x5d: {  	v7 =	vld [tilespmem:s9+$0x200];
	[tilespmem:s15+$0xA240] =	vst v5;
	v2 =	vadd.f32 v3, v2  }
0x5e: {  	v3 =	vld [tilespmem:s9+$0x5240]  }
0x5f: {  	v5 =	vld [tilespmem:s9+$0x210];
	[tilespmem:s15+$0xA250] =	vst v2;
	v0 =	vadd.f32 v4, v0  }
0x60: {  	v2 =	vld [tilespmem:s9+$0x5250]  }
0x61: {  	v4 =	vld [tilespmem:s9+$0x220];
	[tilespmem:s15+$0xA260] =	vst v0  }
0x62: {  	v0 =	vadd.f32 v6, v1;
	v1 =	vld [tilespmem:s9+$0x5260]  }
0x63: {  	v6 =	vld [tilespmem:s9+$0x230]  }
0x64: {  	v3 =	vadd.f32 v3, v7;
	[tilespmem:s9+$0xA270] =	vst v0;
	v0 =	vld [tilespmem:s9+$0x5270]  }
0x65: {  	v7 =	vld [tilespmem:s9+$0x6660]  }
0x66: {  	[tilespmem:s9+$0xA200] =	vst v3;
	v2 =	vadd.f32 v2, v5;
	v3 =	vld [tilespmem:s9+$0x1600]  }
0x67: {  	v5 =	vld [tilespmem:s9+$0x6640]  }
0x68: {  	[tilespmem:s9+$0xA210] =	vst v2;
	v1 =	vadd.f32 v1, v4;
	v2 =	vld [tilespmem:s9+$0x1610]  }
0x69: {  	v4 =	vld [tilespmem:s9+$0x6650]  }
0x6a: {  	[tilespmem:s9+$0xA220] =	vst v1;
	v1 =	vld [tilespmem:s9+$0x1620];
	_ =	sdelay $0x1  }
0x6b: {  	v0 =	vadd.f32 v0, v6  }
0x6c: {  	v3 =	vadd.f32 v5, v3  }
0x6d: {  	[tilespmem:s9+$0xA230] =	vst v0;
	v0 =	vadd.f32 v4, v2  }
0x6e: {  	[tilespmem:s9+$0xA240] =	vst v3;
	v1 =	vadd.f32 v7, v1  }
0x6f: {  	[tilespmem:s9+$0xA250] =	vst v0  }
0x70: {  	s19 =	simm.s32 $0x0;
	s14 =	rddreg [dreg:$0x7];
	[tilespmem:s9+$0xA260] =	vst v1  }
0x71: {  	[hbm4b:s14+s19] =	stream.linear.scatter [tilespmem:s7], [sflag:$0x5], $0x1400, $0x38;
	[tilespmem:$0x1EE80] =	vst v63  }
0x72: {  	_ =	swait.ge [sflag:s22], $0x100  }
0x73: {  	[sflag:s22] =	ssyncset.done $0x0  }
0x74: {  	[sflag:s22] =	ssyncadd.s32 $0xFFFFFF00  }
0x75: {  	[tilespmem:s24], [sflag:$0x1] =	stream.indirect.gather [spmem:s2], $0x80, s19, s23, $0xb8;
	[tilespmem:$0x1EE80] =	vst v63  }
0x76: {  	_ = 	snop  }
0x77: {  	[tilespmem:s26], [sflag:$0x3] =	stream.indirect.gather [spmem:s2], $0x80, s25, s23, $0xb8;
	[tilespmem:$0x1EE80] =	vst v63  }
0x78: {  	_ =	swait.ge [sflag:s10], $0x2800  }
0x79: {  	[sflag:s10] =	ssyncset.done $0x0  }
0x7a: {  	[sflag:s10] =	ssyncadd.s32 $0xFFFFD800  }
0x7b: {  	_ =	swait.ge [sflag:s11], $0x2800  }
0x7c: {  	[sflag:s11] =	ssyncset.done $0x0  }
0x7d: {  	s20 =	rddreg [dreg:$0x8];
	[sflag:s11] =	ssyncadd.s32 $0xFFFFD800  }
0x7e: {  	[tilespmem:s21], [sflag:$0x7] =	stream.linear.gather [hbm4b:s20+s19], $0x100, $0x38;
	[tilespmem:$0x1EE80] =	vst v63  }
0x7f: {  	_ =	swait.ge [sflag:s13], $0x1400  }
0x80: {  	[sflag:s13] =	ssyncset.done $0x0  }
0x81: {  	s15 =	simm.s32 $0x0;
	[sflag:s13] =	ssyncadd.s32 $0xFFFFEC00  }
0x82: {  	v0 =	vld [tilespmem:s15+$0x3E30]  }
0x83: {  	v1 =	vld [tilespmem:s15+$0x8E70]  }
0x84: {  	v2 =	vld [tilespmem:s15+$0x2A00]  }
0x85: {  	v3 =	vld [tilespmem:s15+$0x7A40]  }
0x86: {  	v4 =	vld [tilespmem:s15+$0x2A10]  }
0x87: {  	v5 =	vld [tilespmem:s15+$0x7A50]  }
0x88: {  	v6 =	vld [tilespmem:s15+$0x2A20]  }
0x89: {  	v7 =	vld [tilespmem:s15+$0x2A30]  }
0x8a: {  	v0 =	vadd.f32 v1, v0;
	v1 =	vld [tilespmem:s15+$0x7A60]  }
0x8b: {  	v8 =	vld [tilespmem:s15+$0x7A70]  }
0x8c: {  	v9 =	vld [tilespmem:s15+$0x8E40];
	v2 =	vadd.f32 v3, v2  }
0x8d: {  	[tilespmem:s15+$0xA270] =	vst v0;
	v0 =	vadd.f32 v5, v4;
	v5 =	vld [tilespmem:s15+$0x3E00]  }
0x8e: {  	v3 =	vld [tilespmem:s15+$0x8E50];
	[tilespmem:s15+$0xA200] =	vst v2  }
0x8f: {  	v2 =	vld [tilespmem:s15+$0x3E10];
	[tilespmem:s15+$0xA210] =	vst v0;
	v0 =	vadd.f32 v1, v6  }
0x90: {  	v4 =	vld [tilespmem:s15+$0x8E60];
	v6 =	vadd.f32 v8, v7  }
0x91: {  	s9 =	simm.s32 $0x80;
	[tilespmem:s15+$0xA220] =	vst v0;
	v0 =	vld [tilespmem:s15+$0x3E20]  }
0x92: {  	s17 =	simm.s32 $0x400;
	v5 =	vadd.f32 v9, v5;
	v1 =	vld [tilespmem:s9+$0x3E30];
	[tilespmem:s15+$0xA230] =	vst v6  }
.LBB2_4:
0x93: {  	p1 =	sne.s32 s17, $0x4E00;
	v6 =	vld [tilespmem:s9+$0x8E70]  }
0x94: {  	v7 =	vld [tilespmem:s9+$0x2A00];
	[tilespmem:s15+$0xA240] =	vst v5;
	v2 =	vadd.f32 v3, v2  }
0x95: {  	v3 =	vld [tilespmem:s9+$0x7A40]  }
0x96: {  	v5 =	vld [tilespmem:s9+$0x2A10];
	[tilespmem:s15+$0xA250] =	vst v2;
	v0 =	vadd.f32 v4, v0  }
0x97: {  	v2 =	vld [tilespmem:s9+$0x7A50]  }
0x98: {  	v4 =	vld [tilespmem:s9+$0x2A20];
	v1 =	vadd.f32 v6, v1;
	[tilespmem:s15+$0xA260] =	vst v0;
	s15 =	smov.u32 s9  }
0x99: {  	v0 =	vld [tilespmem:s15+$0x7A60]  }
0x9a: {  	v3 =	vadd.f32 v3, v7;
	v6 =	vld [tilespmem:s15+$0x2A30];
	[tilespmem:s15+$0xA270] =	vst v1  }
0x9b: {  	v1 =	vld [tilespmem:s15+$0x7A70]  }
0x9c: {  	[tilespmem:s15+$0xA200] =	vst v3;
	v2 =	vadd.f32 v2, v5;
	v5 =	vld [tilespmem:s15+$0x3E00]  }
0x9d: {  	v7 =	vld [tilespmem:s15+$0x8E40]  }
.Ltmp1:
0x9e: {  	[tilespmem:s15+$0xA210] =	vst v2;
	v0 =	vadd.f32 v0, v4;
	v2 =	vld [tilespmem:s15+$0x3E10];
	(pc) =	sbr.rel @p1 .LBB2_4-.Ltmp1, $4  }
0x9f: {  	v3 =	vld [tilespmem:s15+$0x8E50]  }
0xa0: {  	[tilespmem:s15+$0xA220] =	vst v0;
	v6 =	vadd.f32 v1, v6;
	v0 =	vld [tilespmem:s15+$0x3E20]  }
0xa1: {  	s9 =	sshra.s32 s17, $0x2;
	v4 =	vld [tilespmem:s15+$0x8E60]  }
0xa2: {  	s17 =	sadd.s32 $0x200, s17;
	v1 =	vld [tilespmem:s9+$0x3E30];
	[tilespmem:s15+$0xA230] =	vst v6;
	v5 =	vadd.f32 v7, v5  }
0xa3: {  	v6 =	vld [tilespmem:s9+$0x8E70]  }
0xa4: {  	v7 =	vld [tilespmem:s9+$0x2A00];
	[tilespmem:s15+$0xA240] =	vst v5;
	v2 =	vadd.f32 v3, v2  }
0xa5: {  	v51 =	vld [tilespmem:s9+$0x7A40]  }
0xa6: {  	v5 =	vld [tilespmem:s9+$0x2A10];
	[tilespmem:s15+$0xA250] =	vst v2;
	v0 =	vadd.f32 v4, v0  }
0xa7: {  	v2 =	vld [tilespmem:s9+$0x7A50]  }
0xa8: {  	v52 =	vld [tilespmem:s9+$0x2A20];
	[tilespmem:s15+$0xA260] =	vst v0  }
0xa9: {  	v54 =	vld [tilespmem:s9+$0x7A60]  }
0xaa: {  	v55 =	vld [tilespmem:s9+$0x2A30]  }
0xab: {  	v56 =	vld [tilespmem:s9+$0x7A70]  }
0xac: {  	v57 =	vld [tilespmem:s9+$0x3E00]  }
0xad: {  	v58 =	vld [tilespmem:s9+$0x8E40]  }
0xae: {  	v59 =	vld [tilespmem:s9+$0x3E10]  }
0xaf: {  	v53 =	vadd.f32 v6, v1;
	v60 =	vld [tilespmem:s9+$0x8E50]  }
0xb0: {  	v61 =	vld [tilespmem:s9+$0x3E20];
	v3 =	vadd.f32 v51, v7  }
0xb1: {  	v62 =	vld [tilespmem:s9+$0x8E60];
	[tilespmem:s9+$0xA270] =	vst v53;
	v2 =	vadd.f32 v2, v5  }
0xb2: {  	[tilespmem:s9+$0xA200] =	vst v3;
	v1 =	vadd.f32 v54, v52  }
0xb3: {  	[tilespmem:s9+$0xA210] =	vst v2;
	v0 =	vadd.f32 v56, v55  }
0xb4: {  	v3 =	vadd.f32 v58, v57;
	[tilespmem:s9+$0xA220] =	vst v1  }
0xb5: {  	v63 =	vadd.f32 v60, v59;
	[tilespmem:s9+$0xA230] =	vst v0  }
0xb6: {  	[tilespmem:s9+$0xA240] =	vst v3;
	v1 =	vadd.f32 v62, v61  }
0xb7: {  	[tilespmem:s9+$0xA250] =	vst v63  }
0xb8: {  	s20 =	rddreg [dreg:$0x9];
	s17 =	simm.s32 $0x0;
	s15 =	simm.s32 $0x0;
	[tilespmem:s9+$0xA260] =	vst v1  }
0xb9: {  	[hbm4b:s20+s15] =	stream.linear.scatter [tilespmem:s7], [sflag:$0x5], $0x1400, $0x38;
	[tilespmem:$0x1EE80] =	vst v63  }
.LBB2_6:
0xba: {  	_ =	swait.ge [sflag:s28], $0x100  }
0xbb: {  	[sflag:s28] =	ssyncset.done $0x0  }
0xbc: {  	[sflag:s28] =	ssyncadd.s32 $0xFFFFFF00  }
0xbd: {  	[tilespmem:s29], [sflag:$0x2] =	stream.indirect.gather [spmem:s2], $0x80, s21, s23, $0xb8;
	[tilespmem:$0x1EE80] =	vst v63  }
0xbe: {  	_ = 	snop  }
0xbf: {  	[tilespmem:s31], [sflag:$0x4] =	stream.indirect.gather [spmem:s2], $0x80, s30, s23, $0xb8;
	[tilespmem:$0x1EE80] =	vst v63  }
0xc0: {  	_ =	swait.ge [sflag:s0], $0x2800  }
0xc1: {  	s18 =	sadd.s32 $0x1, s17;
	[sflag:s0] =	ssyncset.done $0x0  }
0xc2: {  	s20 =	sshll.u32 s18, $0x9;
	[sflag:s0] =	ssyncadd.s32 $0xFFFFD800  }
0xc3: {  	s9 =	sadd.s32 s20, s8;
	_ =	swait.ge [sflag:s1], $0x2800  }
0xc4: {  	s9 =	sshrl.u32 s9, $0x3;
	[sflag:s1] =	ssyncset.done $0x0  }
0xc5: {  	s9 =	sadd.s32 s4, s9;
	[sflag:s1] =	ssyncadd.s32 $0xFFFFD800  }
0xc6: {  	[tilespmem:s15], [sflag:$0x6] =	stream.linear.gather [hbm4b:s9+s15], $0x100, $0x38;
	[tilespmem:$0x1EE80] =	vst v63  }
0xc7: {  	_ =	swait.ge [sflag:s13], $0x1400  }
0xc8: {  	[sflag:s13] =	ssyncset.done $0x0  }
0xc9: {  	s19 =	simm.s32 $0x0;
	[sflag:s13] =	ssyncadd.s32 $0xFFFFEC00  }
0xca: {  	v0 =	vld [tilespmem:s19+$0x1630]  }
0xcb: {  	v1 =	vld [tilespmem:s19+$0x6670]  }
0xcc: {  	v2 =	vld [tilespmem:s19+$0x200]  }
0xcd: {  	v3 =	vld [tilespmem:s19+$0x5240]  }
0xce: {  	v4 =	vld [tilespmem:s19+$0x210]  }
0xcf: {  	v5 =	vld [tilespmem:s19+$0x5250]  }
0xd0: {  	v6 =	vld [tilespmem:s19+$0x220]  }
0xd1: {  	v7 =	vld [tilespmem:s19+$0x230]  }
0xd2: {  	v0 =	vadd.f32 v1, v0;
	v1 =	vld [tilespmem:s19+$0x5260]  }
0xd3: {  	v8 =	vld [tilespmem:s19+$0x5270]  }
0xd4: {  	v9 =	vld [tilespmem:s19+$0x6640];
	v2 =	vadd.f32 v3, v2  }
0xd5: {  	[tilespmem:s19+$0xA270] =	vst v0;
	v0 =	vadd.f32 v5, v4;
	v5 =	vld [tilespmem:s19+$0x1600]  }
0xd6: {  	v3 =	vld [tilespmem:s19+$0x6650];
	[tilespmem:s19+$0xA200] =	vst v2  }
0xd7: {  	v2 =	vld [tilespmem:s19+$0x1610];
	[tilespmem:s19+$0xA210] =	vst v0;
	v0 =	vadd.f32 v1, v6  }
0xd8: {  	v4 =	vld [tilespmem:s19+$0x6660];
	v6 =	vadd.f32 v8, v7  }
0xd9: {  	s9 =	simm.s32 $0x80;
	[tilespmem:s19+$0xA220] =	vst v0;
	v0 =	vld [tilespmem:s19+$0x1620]  }
0xda: {  	s14 =	simm.s32 $0x400;
	v5 =	vadd.f32 v9, v5;
	v1 =	vld [tilespmem:s9+$0x1630];
	[tilespmem:s19+$0xA230] =	vst v6  }
.LBB2_7:
0xdb: {  	p1 =	sne.s32 s14, $0x4E00;
	v6 =	vld [tilespmem:s9+$0x6670]  }
0xdc: {  	v7 =	vld [tilespmem:s9+$0x200];
	[tilespmem:s19+$0xA240] =	vst v5;
	v2 =	vadd.f32 v3, v2  }
0xdd: {  	v3 =	vld [tilespmem:s9+$0x5240]  }
0xde: {  	v5 =	vld [tilespmem:s9+$0x210];
	[tilespmem:s19+$0xA250] =	vst v2;
	v0 =	vadd.f32 v4, v0  }
0xdf: {  	v2 =	vld [tilespmem:s9+$0x5250]  }
0xe0: {  	v4 =	vld [tilespmem:s9+$0x220];
	v1 =	vadd.f32 v6, v1;
	[tilespmem:s19+$0xA260] =	vst v0;
	s19 =	smov.u32 s9  }
0xe1: {  	v0 =	vld [tilespmem:s19+$0x5260]  }
0xe2: {  	v3 =	vadd.f32 v3, v7;
	v6 =	vld [tilespmem:s19+$0x230];
	[tilespmem:s19+$0xA270] =	vst v1  }
0xe3: {  	v1 =	vld [tilespmem:s19+$0x5270]  }
0xe4: {  	[tilespmem:s19+$0xA200] =	vst v3;
	v2 =	vadd.f32 v2, v5;
	v5 =	vld [tilespmem:s19+$0x1600]  }
0xe5: {  	v7 =	vld [tilespmem:s19+$0x6640]  }
.Ltmp2:
0xe6: {  	[tilespmem:s19+$0xA210] =	vst v2;
	v0 =	vadd.f32 v0, v4;
	v2 =	vld [tilespmem:s19+$0x1610];
	(pc) =	sbr.rel @p1 .LBB2_7-.Ltmp2, $4  }
0xe7: {  	v3 =	vld [tilespmem:s19+$0x6650]  }
0xe8: {  	[tilespmem:s19+$0xA220] =	vst v0;
	v6 =	vadd.f32 v1, v6;
	v0 =	vld [tilespmem:s19+$0x1620]  }
0xe9: {  	s9 =	sshra.s32 s14, $0x2;
	v4 =	vld [tilespmem:s19+$0x6660]  }
0xea: {  	s14 =	sadd.s32 $0x200, s14;
	v1 =	vld [tilespmem:s9+$0x1630];
	[tilespmem:s19+$0xA230] =	vst v6;
	v5 =	vadd.f32 v7, v5  }
0xeb: {  	v6 =	vld [tilespmem:s9+$0x6670]  }
0xec: {  	v7 =	vld [tilespmem:s9+$0x200];
	[tilespmem:s19+$0xA240] =	vst v5;
	v2 =	vadd.f32 v3, v2  }
0xed: {  	v3 =	vld [tilespmem:s9+$0x5240]  }
0xee: {  	v5 =	vld [tilespmem:s9+$0x210];
	[tilespmem:s19+$0xA250] =	vst v2;
	v0 =	vadd.f32 v4, v0  }
0xef: {  	v2 =	vld [tilespmem:s9+$0x5250]  }
0xf0: {  	v4 =	vld [tilespmem:s9+$0x220];
	[tilespmem:s19+$0xA260] =	vst v0  }
0xf1: {  	v0 =	vadd.f32 v6, v1;
	v1 =	vld [tilespmem:s9+$0x5260]  }
0xf2: {  	v6 =	vld [tilespmem:s9+$0x230]  }
0xf3: {  	v3 =	vadd.f32 v3, v7;
	[tilespmem:s9+$0xA270] =	vst v0;
	v0 =	vld [tilespmem:s9+$0x5270]  }
0xf4: {  	v7 =	vld [tilespmem:s9+$0x6660]  }
0xf5: {  	[tilespmem:s9+$0xA200] =	vst v3;
	v2 =	vadd.f32 v2, v5;
	v3 =	vld [tilespmem:s9+$0x1600]  }
0xf6: {  	v5 =	vld [tilespmem:s9+$0x6640]  }
0xf7: {  	[tilespmem:s9+$0xA210] =	vst v2;
	v1 =	vadd.f32 v1, v4;
	v2 =	vld [tilespmem:s9+$0x1610]  }
0xf8: {  	v4 =	vld [tilespmem:s9+$0x6650]  }
0xf9: {  	[tilespmem:s9+$0xA220] =	vst v1;
	v1 =	vld [tilespmem:s9+$0x1620];
	_ =	sdelay $0x1  }
0xfa: {  	v0 =	vadd.f32 v0, v6  }
0xfb: {  	s19 =	sshll.u32 s18, $0x1;
	v3 =	vadd.f32 v5, v3  }
0xfc: {  	s14 =	sadd.s32 s6, s19;
	[tilespmem:s9+$0xA230] =	vst v0;
	v0 =	vadd.f32 v4, v2  }
0xfd: {  	s14 =	smul.u32 $0x280, s14;
	[tilespmem:s9+$0xA240] =	vst v3;
	v1 =	vadd.f32 v7, v1  }
0xfe: {  	[tilespmem:s9+$0xA250] =	vst v0  }
0xff: {  	s14 =	sadd.s32 s5, s14;
	[tilespmem:s9+$0xA260] =	vst v1  }
0x100: {  	[hbm4b:s14+s3] =	stream.linear.scatter [tilespmem:s7], [sflag:$0x5], $0x1400, $0x38;
	[tilespmem:$0x1EE80] =	vst v63  }
0x101: {  	_ =	swait.ge [sflag:s22], $0x100  }
0x102: {  	[sflag:s22] =	ssyncset.done $0x0  }
0x103: {  	[sflag:s22] =	ssyncadd.s32 $0xFFFFFF00  }
0x104: {  	[tilespmem:s24], [sflag:$0x1] =	stream.indirect.gather [spmem:s2], $0x80, s3, s23, $0xb8;
	[tilespmem:$0x1EE80] =	vst v63  }
0x105: {  	_ = 	snop  }
0x106: {  	[tilespmem:s26], [sflag:$0x3] =	stream.indirect.gather [spmem:s2], $0x80, s25, s23, $0xb8;
	[tilespmem:$0x1EE80] =	vst v63  }
0x107: {  	_ =	swait.ge [sflag:s10], $0x2800  }
0x108: {  	[sflag:s10] =	ssyncset.done $0x0  }
0x109: {  	p1 =	seq.s32 s17, $0x3C;
	[sflag:s10] =	ssyncadd.s32 $0xFFFFD800  }
0x10a: {  	s9 =	sadd.s32 @!p1 s20, s12;
	_ =	swait.ge [sflag:s11], $0x2800  }
0x10b: {  	s17 =	simm.s32 @!p1 $0x100;
	s9 =	sshrl.u32 @!p1 s9, $0x3;
	[sflag:s11] =	ssyncset.done $0x0  }
0x10c: {  	s14 =	simm.s32 @!p1 $0x0;
	s9 =	sadd.s32 @!p1 s4, s9;
	[sflag:s11] =	ssyncadd.s32 $0xFFFFD800  }
0x10d: {  	[tilespmem:s17], [sflag:$0x7] =	stream.linear.gather @!p1 [hbm4b:s9+s14], $0x100, $0x38;
	[tilespmem:$0x1EE80] =	vst v63  }
0x10e: {  	_ =	swait.ge [sflag:s13], $0x1400  }
0x10f: {  	[sflag:s13] =	ssyncset.done $0x0  }
0x110: {  	s17 =	simm.s32 $0x0;
	[sflag:s13] =	ssyncadd.s32 $0xFFFFEC00  }
0x111: {  	v0 =	vld [tilespmem:s17+$0x3E30]  }
0x112: {  	v1 =	vld [tilespmem:s17+$0x8E70]  }
0x113: {  	v2 =	vld [tilespmem:s17+$0x2A00]  }
0x114: {  	v3 =	vld [tilespmem:s17+$0x7A40]  }
0x115: {  	v4 =	vld [tilespmem:s17+$0x2A10]  }
0x116: {  	v5 =	vld [tilespmem:s17+$0x7A50]  }
0x117: {  	v6 =	vld [tilespmem:s17+$0x2A20]  }
0x118: {  	v7 =	vld [tilespmem:s17+$0x2A30]  }
0x119: {  	v0 =	vadd.f32 v1, v0;
	v1 =	vld [tilespmem:s17+$0x7A60]  }
0x11a: {  	v8 =	vld [tilespmem:s17+$0x7A70]  }
0x11b: {  	v9 =	vld [tilespmem:s17+$0x8E40];
	v2 =	vadd.f32 v3, v2  }
0x11c: {  	[tilespmem:s17+$0xA270] =	vst v0;
	v0 =	vadd.f32 v5, v4;
	v5 =	vld [tilespmem:s17+$0x3E00]  }
0x11d: {  	v3 =	vld [tilespmem:s17+$0x8E50];
	[tilespmem:s17+$0xA200] =	vst v2  }
0x11e: {  	v2 =	vld [tilespmem:s17+$0x3E10];
	[tilespmem:s17+$0xA210] =	vst v0;
	v0 =	vadd.f32 v1, v6  }
0x11f: {  	v4 =	vld [tilespmem:s17+$0x8E60];
	v6 =	vadd.f32 v8, v7  }
0x120: {  	s9 =	simm.s32 $0x80;
	[tilespmem:s17+$0xA220] =	vst v0;
	v0 =	vld [tilespmem:s17+$0x3E20]  }
0x121: {  	s14 =	simm.s32 $0x400;
	v5 =	vadd.f32 v9, v5;
	v1 =	vld [tilespmem:s9+$0x3E30];
	[tilespmem:s17+$0xA230] =	vst v6  }
.LBB2_9:
0x122: {  	p1 =	sne.s32 s14, $0x4E00;
	v6 =	vld [tilespmem:s9+$0x8E70]  }
0x123: {  	v7 =	vld [tilespmem:s9+$0x2A00];
	[tilespmem:s17+$0xA240] =	vst v5;
	v2 =	vadd.f32 v3, v2  }
0x124: {  	v3 =	vld [tilespmem:s9+$0x7A40]  }
0x125: {  	v5 =	vld [tilespmem:s9+$0x2A10];
	[tilespmem:s17+$0xA250] =	vst v2;
	v0 =	vadd.f32 v4, v0  }
0x126: {  	v2 =	vld [tilespmem:s9+$0x7A50]  }
0x127: {  	v4 =	vld [tilespmem:s9+$0x2A20];
	v1 =	vadd.f32 v6, v1;
	[tilespmem:s17+$0xA260] =	vst v0;
	s17 =	smov.u32 s9  }
0x128: {  	v0 =	vld [tilespmem:s17+$0x7A60]  }
0x129: {  	v3 =	vadd.f32 v3, v7;
	v6 =	vld [tilespmem:s17+$0x2A30];
	[tilespmem:s17+$0xA270] =	vst v1  }
0x12a: {  	v1 =	vld [tilespmem:s17+$0x7A70]  }
0x12b: {  	[tilespmem:s17+$0xA200] =	vst v3;
	v2 =	vadd.f32 v2, v5;
	v5 =	vld [tilespmem:s17+$0x3E00]  }
0x12c: {  	v7 =	vld [tilespmem:s17+$0x8E40]  }
.Ltmp3:
0x12d: {  	[tilespmem:s17+$0xA210] =	vst v2;
	v0 =	vadd.f32 v0, v4;
	v2 =	vld [tilespmem:s17+$0x3E10];
	(pc) =	sbr.rel @p1 .LBB2_9-.Ltmp3, $4  }
0x12e: {  	v3 =	vld [tilespmem:s17+$0x8E50]  }
0x12f: {  	[tilespmem:s17+$0xA220] =	vst v0;
	v6 =	vadd.f32 v1, v6;
	v0 =	vld [tilespmem:s17+$0x3E20]  }
0x130: {  	s9 =	sshra.s32 s14, $0x2;
	v4 =	vld [tilespmem:s17+$0x8E60]  }
0x131: {  	s14 =	sadd.s32 $0x200, s14;
	v1 =	vld [tilespmem:s9+$0x3E30];
	[tilespmem:s17+$0xA230] =	vst v6;
	v5 =	vadd.f32 v7, v5  }
0x132: {  	v6 =	vld [tilespmem:s9+$0x8E70]  }
0x133: {  	v7 =	vld [tilespmem:s9+$0x2A00];
	[tilespmem:s17+$0xA240] =	vst v5;
	v2 =	vadd.f32 v3, v2  }
0x134: {  	v51 =	vld [tilespmem:s9+$0x7A40]  }
0x135: {  	v5 =	vld [tilespmem:s9+$0x2A10];
	[tilespmem:s17+$0xA250] =	vst v2;
	v0 =	vadd.f32 v4, v0  }
0x136: {  	v2 =	vld [tilespmem:s9+$0x7A50]  }
0x137: {  	v52 =	vld [tilespmem:s9+$0x2A20];
	[tilespmem:s17+$0xA260] =	vst v0  }
0x138: {  	v54 =	vld [tilespmem:s9+$0x7A60]  }
0x139: {  	v55 =	vld [tilespmem:s9+$0x2A30]  }
0x13a: {  	v56 =	vld [tilespmem:s9+$0x7A70]  }
0x13b: {  	v57 =	vld [tilespmem:s9+$0x3E00]  }
0x13c: {  	v58 =	vld [tilespmem:s9+$0x8E40]  }
0x13d: {  	v59 =	vld [tilespmem:s9+$0x3E10]  }
0x13e: {  	v53 =	vadd.f32 v6, v1;
	v60 =	vld [tilespmem:s9+$0x8E50]  }
0x13f: {  	v61 =	vld [tilespmem:s9+$0x3E20];
	v3 =	vadd.f32 v51, v7  }
0x140: {  	v62 =	vld [tilespmem:s9+$0x8E60];
	[tilespmem:s9+$0xA270] =	vst v53;
	v2 =	vadd.f32 v2, v5  }
0x141: {  	[tilespmem:s9+$0xA200] =	vst v3;
	v1 =	vadd.f32 v54, v52  }
0x142: {  	[tilespmem:s9+$0xA210] =	vst v2;
	v0 =	vadd.f32 v56, v55  }
0x143: {  	p1 =	sne.s32 s18, $0x3D;
	v3 =	vadd.f32 v58, v57;
	[tilespmem:s9+$0xA220] =	vst v1  }
.Ltmp4:
0x144: {  	s14 =	sadd.s32 s19, s16;
	v63 =	vadd.f32 v60, v59;
	[tilespmem:s9+$0xA230] =	vst v0;
	(pc) =	sbr.rel @p1 .LBB2_6-.Ltmp4, $4  }
0x145: {  	s14 =	smul.u32 $0x280, s14;
	[tilespmem:s9+$0xA240] =	vst v3;
	v1 =	vadd.f32 v62, v61  }
0x146: {  	[tilespmem:s9+$0xA250] =	vst v63  }
0x147: {  	s20 =	sadd.s32 s5, s14;
	s17 =	smov.u32 s18;
	[tilespmem:s9+$0xA260] =	vst v1  }
0x148: {  	[hbm4b:s20+s3] =	stream.linear.scatter [tilespmem:s7], [sflag:$0x5], $0x1400, $0x38;
	[tilespmem:$0x1EE80] =	vst v63  }
0x149: {  	_ =	swait.ge [sflag:s0], $0x2800  }
0x14a: {  	[sflag:s0] =	ssyncset.done $0x0  }
0x14b: {  	[sflag:s0] =	ssyncadd.s32 $0xFFFFD800  }
0x14c: {  	_ =	swait.ge [sflag:s1], $0x2800  }
0x14d: {  	[sflag:s1] =	ssyncset.done $0x0  }
0x14e: {  	[sflag:s1] =	ssyncadd.s32 $0xFFFFD800  }
0x14f: {  	_ =	swait.ge [sflag:s13], $0x1400  }
0x150: {  	[sflag:s13] =	ssyncset.done $0x0  }
0x151: {  	s15 =	simm.s32 $0x0;
	[sflag:s13] =	ssyncadd.s32 $0xFFFFEC00  }
0x152: {  	v0 =	vld [tilespmem:s15+$0x1630]  }
0x153: {  	v1 =	vld [tilespmem:s15+$0x6670]  }
0x154: {  	v2 =	vld [tilespmem:s15+$0x200]  }
0x155: {  	v3 =	vld [tilespmem:s15+$0x5240]  }
0x156: {  	v4 =	vld [tilespmem:s15+$0x210]  }
0x157: {  	v5 =	vld [tilespmem:s15+$0x5250]  }
0x158: {  	v6 =	vld [tilespmem:s15+$0x220]  }
0x159: {  	v7 =	vld [tilespmem:s15+$0x230]  }
0x15a: {  	v0 =	vadd.f32 v1, v0;
	v1 =	vld [tilespmem:s15+$0x5260]  }
0x15b: {  	v8 =	vld [tilespmem:s15+$0x5270]  }
0x15c: {  	v9 =	vld [tilespmem:s15+$0x6640];
	v2 =	vadd.f32 v3, v2  }
0x15d: {  	[tilespmem:s15+$0xA270] =	vst v0;
	v0 =	vadd.f32 v5, v4;
	v5 =	vld [tilespmem:s15+$0x1600]  }
0x15e: {  	v3 =	vld [tilespmem:s15+$0x6650];
	[tilespmem:s15+$0xA200] =	vst v2  }
0x15f: {  	v2 =	vld [tilespmem:s15+$0x1610];
	[tilespmem:s15+$0xA210] =	vst v0;
	v0 =	vadd.f32 v1, v6  }
0x160: {  	v4 =	vld [tilespmem:s15+$0x6660];
	v6 =	vadd.f32 v8, v7  }
0x161: {  	s9 =	simm.s32 $0x80;
	[tilespmem:s15+$0xA220] =	vst v0;
	v0 =	vld [tilespmem:s15+$0x1620]  }
0x162: {  	s14 =	simm.s32 $0x400;
	v5 =	vadd.f32 v9, v5;
	v1 =	vld [tilespmem:s9+$0x1630];
	[tilespmem:s15+$0xA230] =	vst v6  }
.LBB2_12:
0x163: {  	p1 =	sne.s32 s14, $0x4E00;
	v6 =	vld [tilespmem:s9+$0x6670]  }
0x164: {  	v7 =	vld [tilespmem:s9+$0x200];
	[tilespmem:s15+$0xA240] =	vst v5;
	v2 =	vadd.f32 v3, v2  }
0x165: {  	v3 =	vld [tilespmem:s9+$0x5240]  }
0x166: {  	v5 =	vld [tilespmem:s9+$0x210];
	[tilespmem:s15+$0xA250] =	vst v2;
	v0 =	vadd.f32 v4, v0  }
0x167: {  	v2 =	vld [tilespmem:s9+$0x5250]  }
0x168: {  	v4 =	vld [tilespmem:s9+$0x220];
	v1 =	vadd.f32 v6, v1;
	[tilespmem:s15+$0xA260] =	vst v0;
	s15 =	smov.u32 s9  }
0x169: {  	v0 =	vld [tilespmem:s15+$0x5260]  }
0x16a: {  	v3 =	vadd.f32 v3, v7;
	v6 =	vld [tilespmem:s15+$0x230];
	[tilespmem:s15+$0xA270] =	vst v1  }
0x16b: {  	v1 =	vld [tilespmem:s15+$0x5270]  }
0x16c: {  	[tilespmem:s15+$0xA200] =	vst v3;
	v2 =	vadd.f32 v2, v5;
	v5 =	vld [tilespmem:s15+$0x1600]  }
0x16d: {  	v7 =	vld [tilespmem:s15+$0x6640]  }
.Ltmp5:
0x16e: {  	[tilespmem:s15+$0xA210] =	vst v2;
	v0 =	vadd.f32 v0, v4;
	v2 =	vld [tilespmem:s15+$0x1610];
	(pc) =	sbr.rel @p1 .LBB2_12-.Ltmp5, $4  }
0x16f: {  	v3 =	vld [tilespmem:s15+$0x6650]  }
0x170: {  	[tilespmem:s15+$0xA220] =	vst v0;
	v6 =	vadd.f32 v1, v6;
	v0 =	vld [tilespmem:s15+$0x1620]  }
0x171: {  	s9 =	sshra.s32 s14, $0x2;
	v4 =	vld [tilespmem:s15+$0x6660]  }
0x172: {  	s14 =	sadd.s32 $0x200, s14;
	v1 =	vld [tilespmem:s9+$0x1630];
	[tilespmem:s15+$0xA230] =	vst v6;
	v5 =	vadd.f32 v7, v5  }
0x173: {  	v6 =	vld [tilespmem:s9+$0x6670]  }
0x174: {  	v7 =	vld [tilespmem:s9+$0x200];
	[tilespmem:s15+$0xA240] =	vst v5;
	v2 =	vadd.f32 v3, v2  }
0x175: {  	v51 =	vld [tilespmem:s9+$0x5240]  }
0x176: {  	v5 =	vld [tilespmem:s9+$0x210];
	[tilespmem:s15+$0xA250] =	vst v2;
	v0 =	vadd.f32 v4, v0  }
0x177: {  	v2 =	vld [tilespmem:s9+$0x5250]  }
0x178: {  	v52 =	vld [tilespmem:s9+$0x220];
	[tilespmem:s15+$0xA260] =	vst v0  }
0x179: {  	v54 =	vld [tilespmem:s9+$0x5260]  }
0x17a: {  	v55 =	vld [tilespmem:s9+$0x230]  }
0x17b: {  	v56 =	vld [tilespmem:s9+$0x5270]  }
0x17c: {  	v57 =	vld [tilespmem:s9+$0x1600]  }
0x17d: {  	v58 =	vld [tilespmem:s9+$0x6640]  }
0x17e: {  	v59 =	vld [tilespmem:s9+$0x1610]  }
0x17f: {  	v53 =	vadd.f32 v6, v1;
	v60 =	vld [tilespmem:s9+$0x6650]  }
0x180: {  	v61 =	vld [tilespmem:s9+$0x1620];
	v3 =	vadd.f32 v51, v7  }
0x181: {  	v62 =	vld [tilespmem:s9+$0x6660];
	[tilespmem:s9+$0xA270] =	vst v53;
	v2 =	vadd.f32 v2, v5  }
0x182: {  	[tilespmem:s9+$0xA200] =	vst v3;
	v1 =	vadd.f32 v54, v52  }
0x183: {  	[tilespmem:s9+$0xA210] =	vst v2;
	v0 =	vadd.f32 v56, v55  }
0x184: {  	v3 =	vadd.f32 v58, v57;
	[tilespmem:s9+$0xA220] =	vst v1  }
0x185: {  	v63 =	vadd.f32 v60, v59;
	[tilespmem:s9+$0xA230] =	vst v0  }
0x186: {  	[tilespmem:s9+$0xA240] =	vst v3;
	v1 =	vadd.f32 v62, v61  }
0x187: {  	[tilespmem:s9+$0xA250] =	vst v63  }
0x188: {  	s19 =	rddreg [dreg:$0xa];
	[tilespmem:s9+$0xA260] =	vst v1  }
0x189: {  	[hbm4b:s19+s3] =	stream.linear.scatter [tilespmem:s7], [sflag:$0x5], $0x1400, $0x38;
	[tilespmem:$0x1EE80] =	vst v63  }
0x18a: {  	_ =	swait.ge [sflag:s13], $0x1400  }
0x18b: {  	s14 =	rddreg [dreg:$0xe]  }
0x18c: {  	s20 =	rddreg [dreg:$0xb];
	s14 =	sadd.s32 $0x1, s14  }
0x18d: {  	p1 =	sne.s32 s14, s20  }
.Ltmp6:
0x18e: {  	_ = 	snop;
	(pc) =	sbr.rel @p1 .LBB2_1-.Ltmp6, $3  }
0x18f: {  	_ =	sdelay $0x1  }
0x190: {  	[sflag:s13] =	ssyncset.done $0x0  }
0x191: {  	[sflag:s13] =	ssyncadd.s32 $0xFFFFEC00  }
0x192: {  	_ =	sfence.sel $0x180000  }
0x193: {  	[bflag:$0x0] =	sbarrier.arrive $0xFFFF  }
0x194: {  	_ =	strace $0x90000047  }
0x195: {  	s0 =	stileid.u32;
	[bflag:$0x2] =	sbarrier.arrive $0xFFFF  }
0x196: {  	p0 =	sne.s32 s0, $0x0;
	s0 =	rddreg [dreg:$0x2]  }
0x197: {  	s0 =	sadd.s32 @!p0 $0x100000, s0  }
0x198: {  	[sflag:s0] =	ssyncadd.tile.s32 @!p0 $0x1;
	_ =	shalt  }
.Lfunc_end2:
_tile_overlayer_lowered:
.L_overlay_start_2:
0x199: {  	(tag) =	ssettag $0x2  }
0x19a: {  	s0 =	rddreg [dreg:$0x0];
	s2 =	stileid.u32  }
0x19b: {  	s1 =	rddreg [dreg:$0x1];
	p0 =	sne.s32 s2, $0x0  }
0x19c: {  	s3 =	rddreg [dreg:$0x2];
	[bflag:$0x3] =	sbarrier.arrive $0xFFFF;
	s2 =	simm.s32 @!p0 $0x1C08  }
0x19d: {  	[timem:s3], [sflag:s2] =	dma.local @!p0 [hbm:s0], s1  }
0x19e: {  	s0 =	simm.s32 @!p0 $0x8  }
0x19f: {  	_ =	swait.ge @!p0 [sflag:s0], s1  }
0x1a0: {  	s1 =	ssub.s32 @!p0 $0x0, s1;
	[sflag:s0] =	ssyncset.done @!p0 $0x0  }
0x1a1: {  	[sflag:s0] =	ssyncadd.s32 @!p0 s1  }
0x1a2: {  	[bflag:$0x3] =	sbarrier.arrive $0xFFFF  }
0x1a3: {  	_ =	shalt  }

</sc_bundles>
